<compile_context>
chip_gen: v7x
topology: tpu7x:2x2x1
jax: 0.10.2.dev20260603
libtpu: 0.0.44.dev20260713+nightly
codegen_flags: <defaults>
</compile_context>

<pallas_src>
import functools

import jax
import jax.numpy as jnp
from jax import lax
from jax.experimental import pallas as pl
from jax.experimental.pallas import tpu as pltpu
from jax.experimental.pallas import tpu_sc as plsc

N_TOK = 8192
D = 2048
E = 16
TOP_K = 2

BLK = 1024
GRID = N_TOK // BLK

NW = 32
CHUNK = N_TOK // NW


def _noisy_logits_body(x_ref, w_ref, b_ref, n_ref, out_ref):
    acc = lax.dot_general(
        w_ref[...], x_ref[...],
        dimension_numbers=(((1,), (1,)), ((), ())),
        preferred_element_type=jnp.float32,
    ) + b_ref[...]
    logits = acc[:E, :]
    noise_logits = acc[E:, :]
    sp = jnp.maximum(noise_logits, 0.0) + jnp.log1p(jnp.exp(-jnp.abs(noise_logits)))
    noisy = logits + n_ref[...] * sp
    for j in range(BLK // CHUNK):
        out_ref[j] = noisy[:, j * CHUNK:(j + 1) * CHUNK]


def _noisy_logits_tc(x, w_cat, b_cat, noise_t):
    return pl.pallas_call(
        _noisy_logits_body,
        grid=(GRID,),
        in_specs=[
            pl.BlockSpec((BLK, D), lambda i: (i, 0)),
            pl.BlockSpec((2 * E, D), lambda i: (0, 0)),
            pl.BlockSpec((2 * E, 1), lambda i: (0, 0)),
            pl.BlockSpec((E, BLK), lambda i: (0, i)),
        ],
        out_specs=pl.BlockSpec((BLK // CHUNK, E, CHUNK), lambda i: (i, 0, 0)),
        out_shape=jax.ShapeDtypeStruct((NW, E, CHUNK), jnp.float32),
    )(x, w_cat, b_cat, noise_t)


@functools.cache
def _make_router_sc():
    mesh = plsc.VectorSubcoreMesh(core_axis_name="c", subcore_axis_name="s")

    @functools.partial(
        pl.kernel,
        mesh=mesh,
        out_type=[
            jax.ShapeDtypeStruct((N_TOK * E,), jnp.float32),
            jax.ShapeDtypeStruct((N_TOK * TOP_K,), jnp.int32),
        ],
        scratch_types=[
            pltpu.VMEM((E * CHUNK,), jnp.float32),
            pltpu.VMEM((CHUNK * E,), jnp.float32),
            pltpu.VMEM((CHUNK * TOP_K,), jnp.int32),
            pltpu.SemaphoreType.DMA,
        ],
        compiler_params=pltpu.CompilerParams(needs_layout_passes=False),
    )
    def router(nt_hbm, gate_hbm, idx_hbm, xv, gv, iv, sem):
        wid = lax.axis_index("s") * 2 + lax.axis_index("c")
        base = wid * CHUNK
        pltpu.sync_copy(nt_hbm.at[pl.ds(wid * (E * CHUNK), E * CHUNK)], xv)

        def body(blk, carry):
            off = blk * 16
            lane = lax.iota(jnp.int32, 16)
            loc = off + lane
            neg = jnp.full((16,), -jnp.inf, jnp.float32)
            m1, m2 = neg, neg
            i1 = jnp.zeros((16,), jnp.int32)
            i2 = i1
            for e in range(E):
                v = xv[pl.ds(e * CHUNK + off, 16)]
                gt1 = v > m1
                gt2 = v > m2
                ee = jnp.full((16,), e, jnp.int32)
                m2 = jnp.where(gt1, m1, jnp.where(gt2, v, m2))
                i2 = jnp.where(gt1, i1, jnp.where(gt2, ee, i2))
                m1 = jnp.where(gt1, v, m1)
                i1 = jnp.where(gt1, ee, i1)
            t = jnp.exp(m2 - m1)
            den = 1.0 + t
            p1 = 1.0 / den
            p2 = t / den
            zero = jnp.zeros((16,), jnp.float32)
            rowbase = loc * E
            for k in range(16):
                gv[pl.ds((off + k) * E, 16)] = zero
            plsc.store_scatter(gv, [rowbase + i1], p1)
            plsc.store_scatter(gv, [rowbase + i2], p2)
            two = loc * TOP_K
            plsc.store_scatter(iv, [two], i1)
            plsc.store_scatter(iv, [two + 1], i2)
            return carry

        nblk = CHUNK // 16
        half = (CHUNK // 2) * E
        lax.fori_loop(0, nblk // 2, body, 0)
        c1 = pltpu.async_copy(gv.at[pl.ds(0, half)],
                              gate_hbm.at[pl.ds(base * E, half)], sem)
        lax.fori_loop(nblk // 2, nblk, body, 0)
        c2 = pltpu.async_copy(gv.at[pl.ds(half, half)],
                              gate_hbm.at[pl.ds(base * E + half, half)], sem)
        c3 = pltpu.async_copy(iv, idx_hbm.at[pl.ds(base * TOP_K, CHUNK * TOP_K)],
                              sem)
        c1.wait()
        c2.wait()
        c3.wait()

    return router


def kernel(mh_output, W_route, b_route, W_noise, b_noise, noise):
    w_cat = jnp.concatenate([W_route, W_noise], axis=0)
    b_cat = jnp.concatenate([b_route, b_noise]).reshape(2 * E, 1)
    noise_t = noise.T
    noisy_t = _noisy_logits_tc(mh_output, w_cat, b_cat, noise_t)
    gate_flat, idx_flat = _make_router_sc()(noisy_t.reshape(-1))
    return (gate_flat.reshape(N_TOK, E), idx_flat.reshape(N_TOK, TOP_K))

# --- scband reference (transcript-rebuilt; emitter-appended) ---
"""Pipeline reference for scband-noisy-topk-router-51874615001519 (READ-ONLY COPY).

The authoritative reference and input builder live on the scoring server;
editing this copy changes nothing except your own understanding.
"""

import jax, jax.numpy as jnp
import numpy as np

N_TOK = 8192
D = 2048
E = 16
TOP_K = 2


def setup_inputs(seed: int = 0) -> dict:
    key = jax.random.key(seed)
    k1, k2, k3, k4, k5, k6 = jax.random.split(key, 6)
    mh_output = jax.random.normal(k1, (N_TOK, D), dtype=jnp.float32)
    lim = 1.0 / np.sqrt(D)
    W_route = jax.random.uniform(k2, (E, D), minval=-lim, maxval=lim, dtype=jnp.float32)
    b_route = jax.random.uniform(k3, (E,), minval=-lim, maxval=lim, dtype=jnp.float32)
    W_noise = jax.random.uniform(k4, (E, D), minval=-lim, maxval=lim, dtype=jnp.float32)
    b_noise = jax.random.uniform(k5, (E,), minval=-lim, maxval=lim, dtype=jnp.float32)
    # torch.randn_like(logits) noise, materialized as a fixed input for determinism
    noise = jax.random.normal(k6, (N_TOK, E), dtype=jnp.float32)
    return {
        "mh_output": mh_output,
        "W_route": W_route,
        "b_route": b_route,
        "W_noise": W_noise,
        "b_noise": b_noise,
        "noise": noise,
    }


def reference(mh_output, W_route, b_route, W_noise, b_noise, noise):
    logits = mh_output @ W_route.T + b_route
    noise_logits = mh_output @ W_noise.T + b_noise
    noisy_logits = logits + noise * jax.nn.softplus(noise_logits)
    top_k_logits, indices = jax.lax.top_k(noisy_logits, TOP_K)
    zeros = jnp.full_like(noisy_logits, -jnp.inf)
    rows = jnp.arange(noisy_logits.shape[0])[:, None]
    sparse_logits = zeros.at[rows, indices].set(top_k_logits)
    router_output = jax.nn.softmax(sparse_logits, axis=-1)
    return (router_output, indices)

if __name__ == "__main__":
    import jax
    _d = setup_inputs()
    print(jax.jit(kernel)(*tuple(_d.values())))

</pallas_src>

<mosaic_0001>
#map = affine_map<(d0, d1) -> (0)>
module attributes {stable_mosaic.version = 14 : i64} {
  func.func @router(%arg0: i32, %arg1: i32, %arg2: memref<131072xf32, #tpu.memory_space<hbm>>, %arg3: memref<131072xf32, #tpu.memory_space<hbm>>, %arg4: memref<16384xi32, #tpu.memory_space<hbm>>, %arg5: memref<4096xf32, #tpu.memory_space<vmem>>, %arg6: memref<4096xf32, #tpu.memory_space<vmem>>, %arg7: memref<512xi32, #tpu.memory_space<vmem>>, %arg8: memref<!tpu.dma_semaphore, #tpu.memory_space<semaphore_mem>>) attributes {dimension_semantics = [#tpu.dimension_semantics<core_parallel>, #tpu.dimension_semantics<subcore_parallel>], iteration_bounds = array<i64: 2, 16>, scalar_prefetch = 0 : i64, scratch_operands = 4 : i64, tpu.core_type = #tpu.core_type<sc_vector_subcore>, window_params = [{transform_indices = #map}, {transform_indices = #map}, {transform_indices = #map}]} {
    %mul3A = arith.constant 2 : i32
    %mul3A_0 = arith.muli %arg1, %mul3A : i32
    %add3A = arith.addi %mul3A_0, %arg0 : i32
    %mul3A_1 = arith.constant 256 : i32
    %mul3A_2 = arith.muli %add3A, %mul3A_1 : i32
    %mul3A_3 = arith.constant 4096 : i32
    %mul3A_4 = arith.muli %add3A, %mul3A_3 : i32
    "tpu.region"() ({
      %run_scoped3A = tpu.sem_alloc : memref<!tpu.dma_semaphore, #tpu.memory_space<semaphore_mem>>
      %dma_start3A_50 = tpu.memref_slice %arg2[%mul3A_4] : memref<131072xf32, #tpu.memory_space<hbm>> -> memref<4096xf32, #tpu.memory_space<hbm>>
      %dma_start3A_51 = tpu.memref_slice %arg2[%mul3A_4] : memref<131072xf32, #tpu.memory_space<hbm>> -> memref<4096xf32, #tpu.memory_space<hbm>>
      tpu.enqueue_dma source(%dma_start3A_51 : memref<4096xf32, #tpu.memory_space<hbm>>) target(%arg5 : memref<4096xf32, #tpu.memory_space<vmem>>) target_semaphore(%run_scoped3A : memref<!tpu.dma_semaphore, #tpu.memory_space<semaphore_mem>>)
      %dma_wait3A_52 = tpu.memref_slice %arg2[%mul3A_4] : memref<131072xf32, #tpu.memory_space<hbm>> -> memref<4096xf32, #tpu.memory_space<hbm>>
      %dma_wait3A_53 = tpu.memref_slice %arg2[%mul3A_4] : memref<131072xf32, #tpu.memory_space<hbm>> -> memref<4096xf32, #tpu.memory_space<hbm>>
      tpu.wait_dma2 semaphore(%run_scoped3A : memref<!tpu.dma_semaphore, #tpu.memory_space<semaphore_mem>>) src(%dma_wait3A_53 : memref<4096xf32, #tpu.memory_space<hbm>>) dst(%arg5 : memref<4096xf32, #tpu.memory_space<vmem>>)
      tpu.yield
    }) : () -> ()
    %scan3A = arith.constant 0 : i32
    %scan3A_5 = arith.constant 0 : i32
    %scan3A_6 = arith.constant 8 : i32
    %scan3A_7 = arith.addi %scan3A_5, %scan3A_6 : i32
    %scan3A_8 = arith.constant 1 : i32
    scf.for %scan3A_50 = %scan3A_5 to %scan3A_7 step %scan3A_8  : i32 {
      %mul3A_51 = arith.constant 16 : i32
      %mul3A_52 = arith.muli %scan3A_50, %mul3A_51 : i32
      %iota3A = tpu.iota {dimensions = array<i32: 0>} : vector<16xi32>
      %add3A_53 = vector.broadcast %mul3A_52 : i32 to vector<16xi32>
      %add3A_54 = arith.addi %add3A_53, %iota3A : vector<16xi32>
      %broadcast_in_dim3A = arith.constant 0xFF800000 : f32
      %broadcast_in_dim3A_55 = vector.broadcast %broadcast_in_dim3A : f32 to vector<16xf32>
      %broadcast_in_dim3A_56 = arith.constant 0 : i32
      %broadcast_in_dim3A_57 = vector.broadcast %broadcast_in_dim3A_56 : i32 to vector<16xi32>
      %add3A_58 = arith.constant 0 : i32
      %add3A_59 = arith.addi %add3A_58, %mul3A_52 : i32
      %get3A = arith.index_cast %add3A_59 : i32 to index
      %get3A_60 = tpu.vector_load %arg5[%get3A] {strides = array<i32>} : memref<4096xf32, #tpu.memory_space<vmem>>, vector<16xf32>,
      %gt3A = arith.cmpf ogt, %get3A_60, %broadcast_in_dim3A_55 : vector<16xf32>
      %gt3A_61 = arith.cmpf ogt, %get3A_60, %broadcast_in_dim3A_55 : vector<16xf32>
      %broadcast_in_dim3A_62 = arith.constant 0 : i32
      %broadcast_in_dim3A_63 = vector.broadcast %broadcast_in_dim3A_62 : i32 to vector<16xi32>
      %select_n3A = arith.select %gt3A_61, %get3A_60, %broadcast_in_dim3A_55 : vector<16xi1>, vector<16xf32>
      %select_n3A_64 = arith.select %gt3A, %broadcast_in_dim3A_55, %select_n3A : vector<16xi1>, vector<16xf32>
      %select_n3A_65 = arith.select %gt3A_61, %broadcast_in_dim3A_63, %broadcast_in_dim3A_57 : vector<16xi1>, vector<16xi32>
      %select_n3A_66 = arith.select %gt3A, %broadcast_in_dim3A_57, %select_n3A_65 : vector<16xi1>, vector<16xi32>
      %select_n3A_67 = arith.select %gt3A, %get3A_60, %broadcast_in_dim3A_55 : vector<16xi1>, vector<16xf32>
      %select_n3A_68 = arith.select %gt3A, %broadcast_in_dim3A_63, %broadcast_in_dim3A_57 : vector<16xi1>, vector<16xi32>
      %add3A_69 = arith.constant 256 : i32
      %add3A_70 = arith.addi %add3A_69, %mul3A_52 : i32
      %get3A_71 = arith.index_cast %add3A_70 : i32 to index
      %get3A_72 = tpu.vector_load %arg5[%get3A_71] {strides = array<i32>} : memref<4096xf32, #tpu.memory_space<vmem>>, vector<16xf32>,
      %gt3A_73 = arith.cmpf ogt, %get3A_72, %select_n3A_67 : vector<16xf32>
      %gt3A_74 = arith.cmpf ogt, %get3A_72, %select_n3A_64 : vector<16xf32>
      %broadcast_in_dim3A_75 = arith.constant 1 : i32
      %broadcast_in_dim3A_76 = vector.broadcast %broadcast_in_dim3A_75 : i32 to vector<16xi32>
      %select_n3A_77 = arith.select %gt3A_74, %get3A_72, %select_n3A_64 : vector<16xi1>, vector<16xf32>
      %select_n3A_78 = arith.select %gt3A_73, %select_n3A_67, %select_n3A_77 : vector<16xi1>, vector<16xf32>
      %select_n3A_79 = arith.select %gt3A_74, %broadcast_in_dim3A_76, %select_n3A_66 : vector<16xi1>, vector<16xi32>
      %select_n3A_80 = arith.select %gt3A_73, %select_n3A_68, %select_n3A_79 : vector<16xi1>, vector<16xi32>
      %select_n3A_81 = arith.select %gt3A_73, %get3A_72, %select_n3A_67 : vector<16xi1>, vector<16xf32>
      %select_n3A_82 = arith.select %gt3A_73, %broadcast_in_dim3A_76, %select_n3A_68 : vector<16xi1>, vector<16xi32>
      %add3A_83 = arith.constant 512 : i32
      %add3A_84 = arith.addi %add3A_83, %mul3A_52 : i32
      %get3A_85 = arith.index_cast %add3A_84 : i32 to index
      %get3A_86 = tpu.vector_load %arg5[%get3A_85] {strides = array<i32>} : memref<4096xf32, #tpu.memory_space<vmem>>, vector<16xf32>,
      %gt3A_87 = arith.cmpf ogt, %get3A_86, %select_n3A_81 : vector<16xf32>
      %gt3A_88 = arith.cmpf ogt, %get3A_86, %select_n3A_78 : vector<16xf32>
      %broadcast_in_dim3A_89 = arith.constant 2 : i32
      %broadcast_in_dim3A_90 = vector.broadcast %broadcast_in_dim3A_89 : i32 to vector<16xi32>
      %select_n3A_91 = arith.select %gt3A_88, %get3A_86, %select_n3A_78 : vector<16xi1>, vector<16xf32>
      %select_n3A_92 = arith.select %gt3A_87, %select_n3A_81, %select_n3A_91 : vector<16xi1>, vector<16xf32>
      %select_n3A_93 = arith.select %gt3A_88, %broadcast_in_dim3A_90, %select_n3A_80 : vector<16xi1>, vector<16xi32>
      %select_n3A_94 = arith.select %gt3A_87, %select_n3A_82, %select_n3A_93 : vector<16xi1>, vector<16xi32>
      %select_n3A_95 = arith.select %gt3A_87, %get3A_86, %select_n3A_81 : vector<16xi1>, vector<16xf32>
      %select_n3A_96 = arith.select %gt3A_87, %broadcast_in_dim3A_90, %select_n3A_82 : vector<16xi1>, vector<16xi32>
      %add3A_97 = arith.constant 768 : i32
      %add3A_98 = arith.addi %add3A_97, %mul3A_52 : i32
      %get3A_99 = arith.index_cast %add3A_98 : i32 to index
      %get3A_100 = tpu.vector_load %arg5[%get3A_99] {strides = array<i32>} : memref<4096xf32, #tpu.memory_space<vmem>>, vector<16xf32>,
      %gt3A_101 = arith.cmpf ogt, %get3A_100, %select_n3A_95 : vector<16xf32>
      %gt3A_102 = arith.cmpf ogt, %get3A_100, %select_n3A_92 : vector<16xf32>
      %broadcast_in_dim3A_103 = arith.constant 3 : i32
      %broadcast_in_dim3A_104 = vector.broadcast %broadcast_in_dim3A_103 : i32 to vector<16xi32>
      %select_n3A_105 = arith.select %gt3A_102, %get3A_100, %select_n3A_92 : vector<16xi1>, vector<16xf32>
      %select_n3A_106 = arith.select %gt3A_101, %select_n3A_95, %select_n3A_105 : vector<16xi1>, vector<16xf32>
      %select_n3A_107 = arith.select %gt3A_102, %broadcast_in_dim3A_104, %select_n3A_94 : vector<16xi1>, vector<16xi32>
      %select_n3A_108 = arith.select %gt3A_101, %select_n3A_96, %select_n3A_107 : vector<16xi1>, vector<16xi32>
      %select_n3A_109 = arith.select %gt3A_101, %get3A_100, %select_n3A_95 : vector<16xi1>, vector<16xf32>
      %select_n3A_110 = arith.select %gt3A_101, %broadcast_in_dim3A_104, %select_n3A_96 : vector<16xi1>, vector<16xi32>
      %add3A_111 = arith.constant 1024 : i32
      %add3A_112 = arith.addi %add3A_111, %mul3A_52 : i32
      %get3A_113 = arith.index_cast %add3A_112 : i32 to index
      %get3A_114 = tpu.vector_load %arg5[%get3A_113] {strides = array<i32>} : memref<4096xf32, #tpu.memory_space<vmem>>, vector<16xf32>,
      %gt3A_115 = arith.cmpf ogt, %get3A_114, %select_n3A_109 : vector<16xf32>
      %gt3A_116 = arith.cmpf ogt, %get3A_114, %select_n3A_106 : vector<16xf32>
      %broadcast_in_dim3A_117 = arith.constant 4 : i32
      %broadcast_in_dim3A_118 = vector.broadcast %broadcast_in_dim3A_117 : i32 to vector<16xi32>
      %select_n3A_119 = arith.select %gt3A_116, %get3A_114, %select_n3A_106 : vector<16xi1>, vector<16xf32>
      %select_n3A_120 = arith.select %gt3A_115, %select_n3A_109, %select_n3A_119 : vector<16xi1>, vector<16xf32>
      %select_n3A_121 = arith.select %gt3A_116, %broadcast_in_dim3A_118, %select_n3A_108 : vector<16xi1>, vector<16xi32>
      %select_n3A_122 = arith.select %gt3A_115, %select_n3A_110, %select_n3A_121 : vector<16xi1>, vector<16xi32>
      %select_n3A_123 = arith.select %gt3A_115, %get3A_114, %select_n3A_109 : vector<16xi1>, vector<16xf32>
      %select_n3A_124 = arith.select %gt3A_115, %broadcast_in_dim3A_118, %select_n3A_110 : vector<16xi1>, vector<16xi32>
      %add3A_125 = arith.constant 1280 : i32
      %add3A_126 = arith.addi %add3A_125, %mul3A_52 : i32
      %get3A_127 = arith.index_cast %add3A_126 : i32 to index
      %get3A_128 = tpu.vector_load %arg5[%get3A_127] {strides = array<i32>} : memref<4096xf32, #tpu.memory_space<vmem>>, vector<16xf32>,
      %gt3A_129 = arith.cmpf ogt, %get3A_128, %select_n3A_123 : vector<16xf32>
      %gt3A_130 = arith.cmpf ogt, %get3A_128, %select_n3A_120 : vector<16xf32>
      %broadcast_in_dim3A_131 = arith.constant 5 : i32
      %broadcast_in_dim3A_132 = vector.broadcast %broadcast_in_dim3A_131 : i32 to vector<16xi32>
      %select_n3A_133 = arith.select %gt3A_130, %get3A_128, %select_n3A_120 : vector<16xi1>, vector<16xf32>
      %select_n3A_134 = arith.select %gt3A_129, %select_n3A_123, %select_n3A_133 : vector<16xi1>, vector<16xf32>
      %select_n3A_135 = arith.select %gt3A_130, %broadcast_in_dim3A_132, %select_n3A_122 : vector<16xi1>, vector<16xi32>
      %select_n3A_136 = arith.select %gt3A_129, %select_n3A_124, %select_n3A_135 : vector<16xi1>, vector<16xi32>
      %select_n3A_137 = arith.select %gt3A_129, %get3A_128, %select_n3A_123 : vector<16xi1>, vector<16xf32>
      %select_n3A_138 = arith.select %gt3A_129, %broadcast_in_dim3A_132, %select_n3A_124 : vector<16xi1>, vector<16xi32>
      %add3A_139 = arith.constant 1536 : i32
      %add3A_140 = arith.addi %add3A_139, %mul3A_52 : i32
      %get3A_141 = arith.index_cast %add3A_140 : i32 to index
      %get3A_142 = tpu.vector_load %arg5[%get3A_141] {strides = array<i32>} : memref<4096xf32, #tpu.memory_space<vmem>>, vector<16xf32>,
      %gt3A_143 = arith.cmpf ogt, %get3A_142, %select_n3A_137 : vector<16xf32>
      %gt3A_144 = arith.cmpf ogt, %get3A_142, %select_n3A_134 : vector<16xf32>
      %broadcast_in_dim3A_145 = arith.constant 6 : i32
      %broadcast_in_dim3A_146 = vector.broadcast %broadcast_in_dim3A_145 : i32 to vector<16xi32>
      %select_n3A_147 = arith.select %gt3A_144, %get3A_142, %select_n3A_134 : vector<16xi1>, vector<16xf32>
      %select_n3A_148 = arith.select %gt3A_143, %select_n3A_137, %select_n3A_147 : vector<16xi1>, vector<16xf32>
      %select_n3A_149 = arith.select %gt3A_144, %broadcast_in_dim3A_146, %select_n3A_136 : vector<16xi1>, vector<16xi32>
      %select_n3A_150 = arith.select %gt3A_143, %select_n3A_138, %select_n3A_149 : vector<16xi1>, vector<16xi32>
      %select_n3A_151 = arith.select %gt3A_143, %get3A_142, %select_n3A_137 : vector<16xi1>, vector<16xf32>
      %select_n3A_152 = arith.select %gt3A_143, %broadcast_in_dim3A_146, %select_n3A_138 : vector<16xi1>, vector<16xi32>
      %add3A_153 = arith.constant 1792 : i32
      %add3A_154 = arith.addi %add3A_153, %mul3A_52 : i32
      %get3A_155 = arith.index_cast %add3A_154 : i32 to index
      %get3A_156 = tpu.vector_load %arg5[%get3A_155] {strides = array<i32>} : memref<4096xf32, #tpu.memory_space<vmem>>, vector<16xf32>,
      %gt3A_157 = arith.cmpf ogt, %get3A_156, %select_n3A_151 : vector<16xf32>
      %gt3A_158 = arith.cmpf ogt, %get3A_156, %select_n3A_148 : vector<16xf32>
      %broadcast_in_dim3A_159 = arith.constant 7 : i32
      %broadcast_in_dim3A_160 = vector.broadcast %broadcast_in_dim3A_159 : i32 to vector<16xi32>
      %select_n3A_161 = arith.select %gt3A_158, %get3A_156, %select_n3A_148 : vector<16xi1>, vector<16xf32>
      %select_n3A_162 = arith.select %gt3A_157, %select_n3A_151, %select_n3A_161 : vector<16xi1>, vector<16xf32>
      %select_n3A_163 = arith.select %gt3A_158, %broadcast_in_dim3A_160, %select_n3A_150 : vector<16xi1>, vector<16xi32>
      %select_n3A_164 = arith.select %gt3A_157, %select_n3A_152, %select_n3A_163 : vector<16xi1>, vector<16xi32>
      %select_n3A_165 = arith.select %gt3A_157, %get3A_156, %select_n3A_151 : vector<16xi1>, vector<16xf32>
      %select_n3A_166 = arith.select %gt3A_157, %broadcast_in_dim3A_160, %select_n3A_152 : vector<16xi1>, vector<16xi32>
      %add3A_167 = arith.constant 2048 : i32
      %add3A_168 = arith.addi %add3A_167, %mul3A_52 : i32
      %get3A_169 = arith.index_cast %add3A_168 : i32 to index
      %get3A_170 = tpu.vector_load %arg5[%get3A_169] {strides = array<i32>} : memref<4096xf32, #tpu.memory_space<vmem>>, vector<16xf32>,
      %gt3A_171 = arith.cmpf ogt, %get3A_170, %select_n3A_165 : vector<16xf32>
      %gt3A_172 = arith.cmpf ogt, %get3A_170, %select_n3A_162 : vector<16xf32>
      %broadcast_in_dim3A_173 = arith.constant 8 : i32
      %broadcast_in_dim3A_174 = vector.broadcast %broadcast_in_dim3A_173 : i32 to vector<16xi32>
      %select_n3A_175 = arith.select %gt3A_172, %get3A_170, %select_n3A_162 : vector<16xi1>, vector<16xf32>
      %select_n3A_176 = arith.select %gt3A_171, %select_n3A_165, %select_n3A_175 : vector<16xi1>, vector<16xf32>
      %select_n3A_177 = arith.select %gt3A_172, %broadcast_in_dim3A_174, %select_n3A_164 : vector<16xi1>, vector<16xi32>
      %select_n3A_178 = arith.select %gt3A_171, %select_n3A_166, %select_n3A_177 : vector<16xi1>, vector<16xi32>
      %select_n3A_179 = arith.select %gt3A_171, %get3A_170, %select_n3A_165 : vector<16xi1>, vector<16xf32>
      %select_n3A_180 = arith.select %gt3A_171, %broadcast_in_dim3A_174, %select_n3A_166 : vector<16xi1>, vector<16xi32>
      %add3A_181 = arith.constant 2304 : i32
      %add3A_182 = arith.addi %add3A_181, %mul3A_52 : i32
      %get3A_183 = arith.index_cast %add3A_182 : i32 to index
      %get3A_184 = tpu.vector_load %arg5[%get3A_183] {strides = array<i32>} : memref<4096xf32, #tpu.memory_space<vmem>>, vector<16xf32>,
      %gt3A_185 = arith.cmpf ogt, %get3A_184, %select_n3A_179 : vector<16xf32>
      %gt3A_186 = arith.cmpf ogt, %get3A_184, %select_n3A_176 : vector<16xf32>
      %broadcast_in_dim3A_187 = arith.constant 9 : i32
      %broadcast_in_dim3A_188 = vector.broadcast %broadcast_in_dim3A_187 : i32 to vector<16xi32>
      %select_n3A_189 = arith.select %gt3A_186, %get3A_184, %select_n3A_176 : vector<16xi1>, vector<16xf32>
      %select_n3A_190 = arith.select %gt3A_185, %select_n3A_179, %select_n3A_189 : vector<16xi1>, vector<16xf32>
      %select_n3A_191 = arith.select %gt3A_186, %broadcast_in_dim3A_188, %select_n3A_178 : vector<16xi1>, vector<16xi32>
      %select_n3A_192 = arith.select %gt3A_185, %select_n3A_180, %select_n3A_191 : vector<16xi1>, vector<16xi32>
      %select_n3A_193 = arith.select %gt3A_185, %get3A_184, %select_n3A_179 : vector<16xi1>, vector<16xf32>
      %select_n3A_194 = arith.select %gt3A_185, %broadcast_in_dim3A_188, %select_n3A_180 : vector<16xi1>, vector<16xi32>
      %add3A_195 = arith.constant 2560 : i32
      %add3A_196 = arith.addi %add3A_195, %mul3A_52 : i32
      %get3A_197 = arith.index_cast %add3A_196 : i32 to index
      %get3A_198 = tpu.vector_load %arg5[%get3A_197] {strides = array<i32>} : memref<4096xf32, #tpu.memory_space<vmem>>, vector<16xf32>,
      %gt3A_199 = arith.cmpf ogt, %get3A_198, %select_n3A_193 : vector<16xf32>
      %gt3A_200 = arith.cmpf ogt, %get3A_198, %select_n3A_190 : vector<16xf32>
      %broadcast_in_dim3A_201 = arith.constant 10 : i32
      %broadcast_in_dim3A_202 = vector.broadcast %broadcast_in_dim3A_201 : i32 to vector<16xi32>
      %select_n3A_203 = arith.select %gt3A_200, %get3A_198, %select_n3A_190 : vector<16xi1>, vector<16xf32>
      %select_n3A_204 = arith.select %gt3A_199, %select_n3A_193, %select_n3A_203 : vector<16xi1>, vector<16xf32>
      %select_n3A_205 = arith.select %gt3A_200, %broadcast_in_dim3A_202, %select_n3A_192 : vector<16xi1>, vector<16xi32>
      %select_n3A_206 = arith.select %gt3A_199, %select_n3A_194, %select_n3A_205 : vector<16xi1>, vector<16xi32>
      %select_n3A_207 = arith.select %gt3A_199, %get3A_198, %select_n3A_193 : vector<16xi1>, vector<16xf32>
      %select_n3A_208 = arith.select %gt3A_199, %broadcast_in_dim3A_202, %select_n3A_194 : vector<16xi1>, vector<16xi32>
      %add3A_209 = arith.constant 2816 : i32
      %add3A_210 = arith.addi %add3A_209, %mul3A_52 : i32
      %get3A_211 = arith.index_cast %add3A_210 : i32 to index
      %get3A_212 = tpu.vector_load %arg5[%get3A_211] {strides = array<i32>} : memref<4096xf32, #tpu.memory_space<vmem>>, vector<16xf32>,
      %gt3A_213 = arith.cmpf ogt, %get3A_212, %select_n3A_207 : vector<16xf32>
      %gt3A_214 = arith.cmpf ogt, %get3A_212, %select_n3A_204 : vector<16xf32>
      %broadcast_in_dim3A_215 = arith.constant 11 : i32
      %broadcast_in_dim3A_216 = vector.broadcast %broadcast_in_dim3A_215 : i32 to vector<16xi32>
      %select_n3A_217 = arith.select %gt3A_214, %get3A_212, %select_n3A_204 : vector<16xi1>, vector<16xf32>
      %select_n3A_218 = arith.select %gt3A_213, %select_n3A_207, %select_n3A_217 : vector<16xi1>, vector<16xf32>
      %select_n3A_219 = arith.select %gt3A_214, %broadcast_in_dim3A_216, %select_n3A_206 : vector<16xi1>, vector<16xi32>
      %select_n3A_220 = arith.select %gt3A_213, %select_n3A_208, %select_n3A_219 : vector<16xi1>, vector<16xi32>
      %select_n3A_221 = arith.select %gt3A_213, %get3A_212, %select_n3A_207 : vector<16xi1>, vector<16xf32>
      %select_n3A_222 = arith.select %gt3A_213, %broadcast_in_dim3A_216, %select_n3A_208 : vector<16xi1>, vector<16xi32>
      %add3A_223 = arith.constant 3072 : i32
      %add3A_224 = arith.addi %add3A_223, %mul3A_52 : i32
      %get3A_225 = arith.index_cast %add3A_224 : i32 to index
      %get3A_226 = tpu.vector_load %arg5[%get3A_225] {strides = array<i32>} : memref<4096xf32, #tpu.memory_space<vmem>>, vector<16xf32>,
      %gt3A_227 = arith.cmpf ogt, %get3A_226, %select_n3A_221 : vector<16xf32>
      %gt3A_228 = arith.cmpf ogt, %get3A_226, %select_n3A_218 : vector<16xf32>
      %broadcast_in_dim3A_229 = arith.constant 12 : i32
      %broadcast_in_dim3A_230 = vector.broadcast %broadcast_in_dim3A_229 : i32 to vector<16xi32>
      %select_n3A_231 = arith.select %gt3A_228, %get3A_226, %select_n3A_218 : vector<16xi1>, vector<16xf32>
      %select_n3A_232 = arith.select %gt3A_227, %select_n3A_221, %select_n3A_231 : vector<16xi1>, vector<16xf32>
      %select_n3A_233 = arith.select %gt3A_228, %broadcast_in_dim3A_230, %select_n3A_220 : vector<16xi1>, vector<16xi32>
      %select_n3A_234 = arith.select %gt3A_227, %select_n3A_222, %select_n3A_233 : vector<16xi1>, vector<16xi32>
      %select_n3A_235 = arith.select %gt3A_227, %get3A_226, %select_n3A_221 : vector<16xi1>, vector<16xf32>
      %select_n3A_236 = arith.select %gt3A_227, %broadcast_in_dim3A_230, %select_n3A_222 : vector<16xi1>, vector<16xi32>
      %add3A_237 = arith.constant 3328 : i32
      %add3A_238 = arith.addi %add3A_237, %mul3A_52 : i32
      %get3A_239 = arith.index_cast %add3A_238 : i32 to index
      %get3A_240 = tpu.vector_load %arg5[%get3A_239] {strides = array<i32>} : memref<4096xf32, #tpu.memory_space<vmem>>, vector<16xf32>,
      %gt3A_241 = arith.cmpf ogt, %get3A_240, %select_n3A_235 : vector<16xf32>
      %gt3A_242 = arith.cmpf ogt, %get3A_240, %select_n3A_232 : vector<16xf32>
      %broadcast_in_dim3A_243 = arith.constant 13 : i32
      %broadcast_in_dim3A_244 = vector.broadcast %broadcast_in_dim3A_243 : i32 to vector<16xi32>
      %select_n3A_245 = arith.select %gt3A_242, %get3A_240, %select_n3A_232 : vector<16xi1>, vector<16xf32>
      %select_n3A_246 = arith.select %gt3A_241, %select_n3A_235, %select_n3A_245 : vector<16xi1>, vector<16xf32>
      %select_n3A_247 = arith.select %gt3A_242, %broadcast_in_dim3A_244, %select_n3A_234 : vector<16xi1>, vector<16xi32>
      %select_n3A_248 = arith.select %gt3A_241, %select_n3A_236, %select_n3A_247 : vector<16xi1>, vector<16xi32>
      %select_n3A_249 = arith.select %gt3A_241, %get3A_240, %select_n3A_235 : vector<16xi1>, vector<16xf32>
      %select_n3A_250 = arith.select %gt3A_241, %broadcast_in_dim3A_244, %select_n3A_236 : vector<16xi1>, vector<16xi32>
      %add3A_251 = arith.constant 3584 : i32
      %add3A_252 = arith.addi %add3A_251, %mul3A_52 : i32
      %get3A_253 = arith.index_cast %add3A_252 : i32 to index
      %get3A_254 = tpu.vector_load %arg5[%get3A_253] {strides = array<i32>} : memref<4096xf32, #tpu.memory_space<vmem>>, vector<16xf32>,
      %gt3A_255 = arith.cmpf ogt, %get3A_254, %select_n3A_249 : vector<16xf32>
      %gt3A_256 = arith.cmpf ogt, %get3A_254, %select_n3A_246 : vector<16xf32>
      %broadcast_in_dim3A_257 = arith.constant 14 : i32
      %broadcast_in_dim3A_258 = vector.broadcast %broadcast_in_dim3A_257 : i32 to vector<16xi32>
      %select_n3A_259 = arith.select %gt3A_256, %get3A_254, %select_n3A_246 : vector<16xi1>, vector<16xf32>
      %select_n3A_260 = arith.select %gt3A_255, %select_n3A_249, %select_n3A_259 : vector<16xi1>, vector<16xf32>
      %select_n3A_261 = arith.select %gt3A_256, %broadcast_in_dim3A_258, %select_n3A_248 : vector<16xi1>, vector<16xi32>
      %select_n3A_262 = arith.select %gt3A_255, %select_n3A_250, %select_n3A_261 : vector<16xi1>, vector<16xi32>
      %select_n3A_263 = arith.select %gt3A_255, %get3A_254, %select_n3A_249 : vector<16xi1>, vector<16xf32>
      %select_n3A_264 = arith.select %gt3A_255, %broadcast_in_dim3A_258, %select_n3A_250 : vector<16xi1>, vector<16xi32>
      %add3A_265 = arith.constant 3840 : i32
      %add3A_266 = arith.addi %add3A_265, %mul3A_52 : i32
      %get3A_267 = arith.index_cast %add3A_266 : i32 to index
      %get3A_268 = tpu.vector_load %arg5[%get3A_267] {strides = array<i32>} : memref<4096xf32, #tpu.memory_space<vmem>>, vector<16xf32>,
      %gt3A_269 = arith.cmpf ogt, %get3A_268, %select_n3A_263 : vector<16xf32>
      %gt3A_270 = arith.cmpf ogt, %get3A_268, %select_n3A_260 : vector<16xf32>
      %broadcast_in_dim3A_271 = arith.constant 15 : i32
      %broadcast_in_dim3A_272 = vector.broadcast %broadcast_in_dim3A_271 : i32 to vector<16xi32>
      %select_n3A_273 = arith.select %gt3A_270, %get3A_268, %select_n3A_260 : vector<16xi1>, vector<16xf32>
      %select_n3A_274 = arith.select %gt3A_269, %select_n3A_263, %select_n3A_273 : vector<16xi1>, vector<16xf32>
      %select_n3A_275 = arith.select %gt3A_270, %broadcast_in_dim3A_272, %select_n3A_262 : vector<16xi1>, vector<16xi32>
      %select_n3A_276 = arith.select %gt3A_269, %select_n3A_264, %select_n3A_275 : vector<16xi1>, vector<16xi32>
      %select_n3A_277 = arith.select %gt3A_269, %get3A_268, %select_n3A_263 : vector<16xi1>, vector<16xf32>
      %select_n3A_278 = arith.select %gt3A_269, %broadcast_in_dim3A_272, %select_n3A_264 : vector<16xi1>, vector<16xi32>
      %sub3A = arith.subf %select_n3A_274, %select_n3A_277 : vector<16xf32>
      %exp3A = math.exp %sub3A : vector<16xf32>
      %add3A_279 = arith.constant 1.000000e+00 : f32
      %add3A_280 = vector.broadcast %add3A_279 : f32 to vector<16xf32>
      %add3A_281 = arith.addf %add3A_280, %exp3A : vector<16xf32>
      %div3A = arith.constant 1.000000e+00 : f32
      %div3A_282 = vector.broadcast %div3A : f32 to vector<16xf32>
      %div3A_283 = arith.divf %div3A_282, %add3A_281 : vector<16xf32>
      %div3A_284 = arith.divf %exp3A, %add3A_281 : vector<16xf32>
      %broadcast_in_dim3A_285 = arith.constant 0.000000e+00 : f32
      %broadcast_in_dim3A_286 = vector.broadcast %broadcast_in_dim3A_285 : f32 to vector<16xf32>
      %mul3A_287 = arith.constant 16 : i32
      %mul3A_288 = vector.broadcast %mul3A_287 : i32 to vector<16xi32>
      %mul3A_289 = arith.muli %add3A_54, %mul3A_288 : vector<16xi32>
      %add3A_290 = arith.constant 0 : i32
      %add3A_291 = arith.addi %mul3A_52, %add3A_290 : i32
      %mul3A_292 = arith.constant 16 : i32
      %mul3A_293 = arith.muli %add3A_291, %mul3A_292 : i32
      %swap3A = arith.index_cast %mul3A_293 : i32 to index
      %swap3A_294 = tpu.vector_load %arg6[%swap3A] {strides = array<i32>} : memref<4096xf32, #tpu.memory_space<vmem>>, vector<16xf32>,
      tpu.vector_store %arg6[%swap3A], %broadcast_in_dim3A_286 {strides = array<i32>} : memref<4096xf32, #tpu.memory_space<vmem>>, vector<16xf32>,
      %add3A_295 = arith.constant 1 : i32
      %add3A_296 = arith.addi %mul3A_52, %add3A_295 : i32
      %mul3A_297 = arith.constant 16 : i32
      %mul3A_298 = arith.muli %add3A_296, %mul3A_297 : i32
      %swap3A_299 = arith.index_cast %mul3A_298 : i32 to index
      %swap3A_300 = tpu.vector_load %arg6[%swap3A_299] {strides = array<i32>} : memref<4096xf32, #tpu.memory_space<vmem>>, vector<16xf32>,
      tpu.vector_store %arg6[%swap3A_299], %broadcast_in_dim3A_286 {strides = array<i32>} : memref<4096xf32, #tpu.memory_space<vmem>>, vector<16xf32>,
      %add3A_301 = arith.constant 2 : i32
      %add3A_302 = arith.addi %mul3A_52, %add3A_301 : i32
      %mul3A_303 = arith.constant 16 : i32
      %mul3A_304 = arith.muli %add3A_302, %mul3A_303 : i32
      %swap3A_305 = arith.index_cast %mul3A_304 : i32 to index
      %swap3A_306 = tpu.vector_load %arg6[%swap3A_305] {strides = array<i32>} : memref<4096xf32, #tpu.memory_space<vmem>>, vector<16xf32>,
      tpu.vector_store %arg6[%swap3A_305], %broadcast_in_dim3A_286 {strides = array<i32>} : memref<4096xf32, #tpu.memory_space<vmem>>, vector<16xf32>,
      %add3A_307 = arith.constant 3 : i32
      %add3A_308 = arith.addi %mul3A_52, %add3A_307 : i32
      %mul3A_309 = arith.constant 16 : i32
      %mul3A_310 = arith.muli %add3A_308, %mul3A_309 : i32
      %swap3A_311 = arith.index_cast %mul3A_310 : i32 to index
      %swap3A_312 = tpu.vector_load %arg6[%swap3A_311] {strides = array<i32>} : memref<4096xf32, #tpu.memory_space<vmem>>, vector<16xf32>,
      tpu.vector_store %arg6[%swap3A_311], %broadcast_in_dim3A_286 {strides = array<i32>} : memref<4096xf32, #tpu.memory_space<vmem>>, vector<16xf32>,
      %add3A_313 = arith.constant 4 : i32
      %add3A_314 = arith.addi %mul3A_52, %add3A_313 : i32
      %mul3A_315 = arith.constant 16 : i32
      %mul3A_316 = arith.muli %add3A_314, %mul3A_315 : i32
      %swap3A_317 = arith.index_cast %mul3A_316 : i32 to index
      %swap3A_318 = tpu.vector_load %arg6[%swap3A_317] {strides = array<i32>} : memref<4096xf32, #tpu.memory_space<vmem>>, vector<16xf32>,
      tpu.vector_store %arg6[%swap3A_317], %broadcast_in_dim3A_286 {strides = array<i32>} : memref<4096xf32, #tpu.memory_space<vmem>>, vector<16xf32>,
      %add3A_319 = arith.constant 5 : i32
      %add3A_320 = arith.addi %mul3A_52, %add3A_319 : i32
      %mul3A_321 = arith.constant 16 : i32
      %mul3A_322 = arith.muli %add3A_320, %mul3A_321 : i32
      %swap3A_323 = arith.index_cast %mul3A_322 : i32 to index
      %swap3A_324 = tpu.vector_load %arg6[%swap3A_323] {strides = array<i32>} : memref<4096xf32, #tpu.memory_space<vmem>>, vector<16xf32>,
      tpu.vector_store %arg6[%swap3A_323], %broadcast_in_dim3A_286 {strides = array<i32>} : memref<4096xf32, #tpu.memory_space<vmem>>, vector<16xf32>,
      %add3A_325 = arith.constant 6 : i32
      %add3A_326 = arith.addi %mul3A_52, %add3A_325 : i32
      %mul3A_327 = arith.constant 16 : i32
      %mul3A_328 = arith.muli %add3A_326, %mul3A_327 : i32
      %swap3A_329 = arith.index_cast %mul3A_328 : i32 to index
      %swap3A_330 = tpu.vector_load %arg6[%swap3A_329] {strides = array<i32>} : memref<4096xf32, #tpu.memory_space<vmem>>, vector<16xf32>,
      tpu.vector_store %arg6[%swap3A_329], %broadcast_in_dim3A_286 {strides = array<i32>} : memref<4096xf32, #tpu.memory_space<vmem>>, vector<16xf32>,
      %add3A_331 = arith.constant 7 : i32
      %add3A_332 = arith.addi %mul3A_52, %add3A_331 : i32
      %mul3A_333 = arith.constant 16 : i32
      %mul3A_334 = arith.muli %add3A_332, %mul3A_333 : i32
      %swap3A_335 = arith.index_cast %mul3A_334 : i32 to index
      %swap3A_336 = tpu.vector_load %arg6[%swap3A_335] {strides = array<i32>} : memref<4096xf32, #tpu.memory_space<vmem>>, vector<16xf32>,
      tpu.vector_store %arg6[%swap3A_335], %broadcast_in_dim3A_286 {strides = array<i32>} : memref<4096xf32, #tpu.memory_space<vmem>>, vector<16xf32>,
      %add3A_337 = arith.constant 8 : i32
      %add3A_338 = arith.addi %mul3A_52, %add3A_337 : i32
      %mul3A_339 = arith.constant 16 : i32
      %mul3A_340 = arith.muli %add3A_338, %mul3A_339 : i32
      %swap3A_341 = arith.index_cast %mul3A_340 : i32 to index
      %swap3A_342 = tpu.vector_load %arg6[%swap3A_341] {strides = array<i32>} : memref<4096xf32, #tpu.memory_space<vmem>>, vector<16xf32>,
      tpu.vector_store %arg6[%swap3A_341], %broadcast_in_dim3A_286 {strides = array<i32>} : memref<4096xf32, #tpu.memory_space<vmem>>, vector<16xf32>,
      %add3A_343 = arith.constant 9 : i32
      %add3A_344 = arith.addi %mul3A_52, %add3A_343 : i32
      %mul3A_345 = arith.constant 16 : i32
      %mul3A_346 = arith.muli %add3A_344, %mul3A_345 : i32
      %swap3A_347 = arith.index_cast %mul3A_346 : i32 to index
      %swap3A_348 = tpu.vector_load %arg6[%swap3A_347] {strides = array<i32>} : memref<4096xf32, #tpu.memory_space<vmem>>, vector<16xf32>,
      tpu.vector_store %arg6[%swap3A_347], %broadcast_in_dim3A_286 {strides = array<i32>} : memref<4096xf32, #tpu.memory_space<vmem>>, vector<16xf32>,
      %add3A_349 = arith.constant 10 : i32
      %add3A_350 = arith.addi %mul3A_52, %add3A_349 : i32
      %mul3A_351 = arith.constant 16 : i32
      %mul3A_352 = arith.muli %add3A_350, %mul3A_351 : i32
      %swap3A_353 = arith.index_cast %mul3A_352 : i32 to index
      %swap3A_354 = tpu.vector_load %arg6[%swap3A_353] {strides = array<i32>} : memref<4096xf32, #tpu.memory_space<vmem>>, vector<16xf32>,
      tpu.vector_store %arg6[%swap3A_353], %broadcast_in_dim3A_286 {strides = array<i32>} : memref<4096xf32, #tpu.memory_space<vmem>>, vector<16xf32>,
      %add3A_355 = arith.constant 11 : i32
      %add3A_356 = arith.addi %mul3A_52, %add3A_355 : i32
      %mul3A_357 = arith.constant 16 : i32
      %mul3A_358 = arith.muli %add3A_356, %mul3A_357 : i32
      %swap3A_359 = arith.index_cast %mul3A_358 : i32 to index
      %swap3A_360 = tpu.vector_load %arg6[%swap3A_359] {strides = array<i32>} : memref<4096xf32, #tpu.memory_space<vmem>>, vector<16xf32>,
      tpu.vector_store %arg6[%swap3A_359], %broadcast_in_dim3A_286 {strides = array<i32>} : memref<4096xf32, #tpu.memory_space<vmem>>, vector<16xf32>,
      %add3A_361 = arith.constant 12 : i32
      %add3A_362 = arith.addi %mul3A_52, %add3A_361 : i32
      %mul3A_363 = arith.constant 16 : i32
      %mul3A_364 = arith.muli %add3A_362, %mul3A_363 : i32
      %swap3A_365 = arith.index_cast %mul3A_364 : i32 to index
      %swap3A_366 = tpu.vector_load %arg6[%swap3A_365] {strides = array<i32>} : memref<4096xf32, #tpu.memory_space<vmem>>, vector<16xf32>,
      tpu.vector_store %arg6[%swap3A_365], %broadcast_in_dim3A_286 {strides = array<i32>} : memref<4096xf32, #tpu.memory_space<vmem>>, vector<16xf32>,
      %add3A_367 = arith.constant 13 : i32
      %add3A_368 = arith.addi %mul3A_52, %add3A_367 : i32
      %mul3A_369 = arith.constant 16 : i32
      %mul3A_370 = arith.muli %add3A_368, %mul3A_369 : i32
      %swap3A_371 = arith.index_cast %mul3A_370 : i32 to index
      %swap3A_372 = tpu.vector_load %arg6[%swap3A_371] {strides = array<i32>} : memref<4096xf32, #tpu.memory_space<vmem>>, vector<16xf32>,
      tpu.vector_store %arg6[%swap3A_371], %broadcast_in_dim3A_286 {strides = array<i32>} : memref<4096xf32, #tpu.memory_space<vmem>>, vector<16xf32>,
      %add3A_373 = arith.constant 14 : i32
      %add3A_374 = arith.addi %mul3A_52, %add3A_373 : i32
      %mul3A_375 = arith.constant 16 : i32
      %mul3A_376 = arith.muli %add3A_374, %mul3A_375 : i32
      %swap3A_377 = arith.index_cast %mul3A_376 : i32 to index
      %swap3A_378 = tpu.vector_load %arg6[%swap3A_377] {strides = array<i32>} : memref<4096xf32, #tpu.memory_space<vmem>>, vector<16xf32>,
      tpu.vector_store %arg6[%swap3A_377], %broadcast_in_dim3A_286 {strides = array<i32>} : memref<4096xf32, #tpu.memory_space<vmem>>, vector<16xf32>,
      %add3A_379 = arith.constant 15 : i32
      %add3A_380 = arith.addi %mul3A_52, %add3A_379 : i32
      %mul3A_381 = arith.constant 16 : i32
      %mul3A_382 = arith.muli %add3A_380, %mul3A_381 : i32
      %swap3A_383 = arith.index_cast %mul3A_382 : i32 to index
      %swap3A_384 = tpu.vector_load %arg6[%swap3A_383] {strides = array<i32>} : memref<4096xf32, #tpu.memory_space<vmem>>, vector<16xf32>,
      tpu.vector_store %arg6[%swap3A_383], %broadcast_in_dim3A_286 {strides = array<i32>} : memref<4096xf32, #tpu.memory_space<vmem>>, vector<16xf32>,
      %add3A_385 = arith.addi %mul3A_289, %select_n3A_278 : vector<16xi32>
      tpu.vector_store_idx %arg6[%add3A_385], %div3A_283 : memref<4096xf32, #tpu.memory_space<vmem>>[vector<16xi32>], vector<16xf32>,
      %add3A_386 = arith.addi %mul3A_289, %select_n3A_276 : vector<16xi32>
      tpu.vector_store_idx %arg6[%add3A_386], %div3A_284 : memref<4096xf32, #tpu.memory_space<vmem>>[vector<16xi32>], vector<16xf32>,
      %mul3A_387 = arith.constant 2 : i32
      %mul3A_388 = vector.broadcast %mul3A_387 : i32 to vector<16xi32>
      %mul3A_389 = arith.muli %add3A_54, %mul3A_388 : vector<16xi32>
      tpu.vector_store_idx %arg7[%mul3A_389], %select_n3A_278 : memref<512xi32, #tpu.memory_space<vmem>>[vector<16xi32>], vector<16xi32>,
      %add3A_390 = arith.constant 1 : i32
      %add3A_391 = vector.broadcast %add3A_390 : i32 to vector<16xi32>
      %add3A_392 = arith.addi %mul3A_389, %add3A_391 : vector<16xi32>
      tpu.vector_store_idx %arg7[%add3A_392], %select_n3A_276 : memref<512xi32, #tpu.memory_space<vmem>>[vector<16xi32>], vector<16xi32>,
    }
    %scan3A_9 = arith.constant 8 : i32
    %mul3A_10 = arith.constant 16 : i32
    %mul3A_11 = arith.muli %mul3A_2, %mul3A_10 : i32
    %dma_start3A = arith.constant 0 : i32
    %dma_start3A_12 = tpu.memref_slice %arg6[%dma_start3A] : memref<4096xf32, #tpu.memory_space<vmem>> -> memref<2048xf32, #tpu.memory_space<vmem>>
    %dma_start3A_13 = tpu.memref_slice %arg3[%mul3A_11] : memref<131072xf32, #tpu.memory_space<hbm>> -> memref<2048xf32, #tpu.memory_space<hbm>>
    %dma_start3A_14 = tpu.memref_slice %arg3[%mul3A_11] : memref<131072xf32, #tpu.memory_space<hbm>> -> memref<2048xf32, #tpu.memory_space<hbm>>
    %dma_start3A_15 = arith.constant 0 : i32
    %dma_start3A_16 = tpu.memref_slice %arg6[%dma_start3A_15] : memref<4096xf32, #tpu.memory_space<vmem>> -> memref<2048xf32, #tpu.memory_space<vmem>>
    tpu.enqueue_dma source(%dma_start3A_16 : memref<2048xf32, #tpu.memory_space<vmem>>) target(%dma_start3A_14 : memref<2048xf32, #tpu.memory_space<hbm>>) target_semaphore(%arg8 : memref<!tpu.dma_semaphore, #tpu.memory_space<semaphore_mem>>)
    %scan3A_17 = arith.constant 0 : i32
    %scan3A_18 = arith.constant 8 : i32
    %scan3A_19 = arith.constant 8 : i32
    %scan3A_20 = arith.addi %scan3A_18, %scan3A_19 : i32
    %scan3A_21 = arith.constant 1 : i32
    scf.for %scan3A_50 = %scan3A_18 to %scan3A_20 step %scan3A_21  : i32 {
      %mul3A_51 = arith.constant 16 : i32
      %mul3A_52 = arith.muli %scan3A_50, %mul3A_51 : i32
      %iota3A = tpu.iota {dimensions = array<i32: 0>} : vector<16xi32>
      %add3A_53 = vector.broadcast %mul3A_52 : i32 to vector<16xi32>
      %add3A_54 = arith.addi %add3A_53, %iota3A : vector<16xi32>
      %broadcast_in_dim3A = arith.constant 0xFF800000 : f32
      %broadcast_in_dim3A_55 = vector.broadcast %broadcast_in_dim3A : f32 to vector<16xf32>
      %broadcast_in_dim3A_56 = arith.constant 0 : i32
      %broadcast_in_dim3A_57 = vector.broadcast %broadcast_in_dim3A_56 : i32 to vector<16xi32>
      %add3A_58 = arith.constant 0 : i32
      %add3A_59 = arith.addi %add3A_58, %mul3A_52 : i32
      %get3A = arith.index_cast %add3A_59 : i32 to index
      %get3A_60 = tpu.vector_load %arg5[%get3A] {strides = array<i32>} : memref<4096xf32, #tpu.memory_space<vmem>>, vector<16xf32>,
      %gt3A = arith.cmpf ogt, %get3A_60, %broadcast_in_dim3A_55 : vector<16xf32>
      %gt3A_61 = arith.cmpf ogt, %get3A_60, %broadcast_in_dim3A_55 : vector<16xf32>
      %broadcast_in_dim3A_62 = arith.constant 0 : i32
      %broadcast_in_dim3A_63 = vector.broadcast %broadcast_in_dim3A_62 : i32 to vector<16xi32>
      %select_n3A = arith.select %gt3A_61, %get3A_60, %broadcast_in_dim3A_55 : vector<16xi1>, vector<16xf32>
      %select_n3A_64 = arith.select %gt3A, %broadcast_in_dim3A_55, %select_n3A : vector<16xi1>, vector<16xf32>
      %select_n3A_65 = arith.select %gt3A_61, %broadcast_in_dim3A_63, %broadcast_in_dim3A_57 : vector<16xi1>, vector<16xi32>
      %select_n3A_66 = arith.select %gt3A, %broadcast_in_dim3A_57, %select_n3A_65 : vector<16xi1>, vector<16xi32>
      %select_n3A_67 = arith.select %gt3A, %get3A_60, %broadcast_in_dim3A_55 : vector<16xi1>, vector<16xf32>
      %select_n3A_68 = arith.select %gt3A, %broadcast_in_dim3A_63, %broadcast_in_dim3A_57 : vector<16xi1>, vector<16xi32>
      %add3A_69 = arith.constant 256 : i32
      %add3A_70 = arith.addi %add3A_69, %mul3A_52 : i32
      %get3A_71 = arith.index_cast %add3A_70 : i32 to index
      %get3A_72 = tpu.vector_load %arg5[%get3A_71] {strides = array<i32>} : memref<4096xf32, #tpu.memory_space<vmem>>, vector<16xf32>,
      %gt3A_73 = arith.cmpf ogt, %get3A_72, %select_n3A_67 : vector<16xf32>
      %gt3A_74 = arith.cmpf ogt, %get3A_72, %select_n3A_64 : vector<16xf32>
      %broadcast_in_dim3A_75 = arith.constant 1 : i32
      %broadcast_in_dim3A_76 = vector.broadcast %broadcast_in_dim3A_75 : i32 to vector<16xi32>
      %select_n3A_77 = arith.select %gt3A_74, %get3A_72, %select_n3A_64 : vector<16xi1>, vector<16xf32>
      %select_n3A_78 = arith.select %gt3A_73, %select_n3A_67, %select_n3A_77 : vector<16xi1>, vector<16xf32>
      %select_n3A_79 = arith.select %gt3A_74, %broadcast_in_dim3A_76, %select_n3A_66 : vector<16xi1>, vector<16xi32>
      %select_n3A_80 = arith.select %gt3A_73, %select_n3A_68, %select_n3A_79 : vector<16xi1>, vector<16xi32>
      %select_n3A_81 = arith.select %gt3A_73, %get3A_72, %select_n3A_67 : vector<16xi1>, vector<16xf32>
      %select_n3A_82 = arith.select %gt3A_73, %broadcast_in_dim3A_76, %select_n3A_68 : vector<16xi1>, vector<16xi32>
      %add3A_83 = arith.constant 512 : i32
      %add3A_84 = arith.addi %add3A_83, %mul3A_52 : i32
      %get3A_85 = arith.index_cast %add3A_84 : i32 to index
      %get3A_86 = tpu.vector_load %arg5[%get3A_85] {strides = array<i32>} : memref<4096xf32, #tpu.memory_space<vmem>>, vector<16xf32>,
      %gt3A_87 = arith.cmpf ogt, %get3A_86, %select_n3A_81 : vector<16xf32>
      %gt3A_88 = arith.cmpf ogt, %get3A_86, %select_n3A_78 : vector<16xf32>
      %broadcast_in_dim3A_89 = arith.constant 2 : i32
      %broadcast_in_dim3A_90 = vector.broadcast %broadcast_in_dim3A_89 : i32 to vector<16xi32>
      %select_n3A_91 = arith.select %gt3A_88, %get3A_86, %select_n3A_78 : vector<16xi1>, vector<16xf32>
      %select_n3A_92 = arith.select %gt3A_87, %select_n3A_81, %select_n3A_91 : vector<16xi1>, vector<16xf32>
      %select_n3A_93 = arith.select %gt3A_88, %broadcast_in_dim3A_90, %select_n3A_80 : vector<16xi1>, vector<16xi32>
      %select_n3A_94 = arith.select %gt3A_87, %select_n3A_82, %select_n3A_93 : vector<16xi1>, vector<16xi32>
      %select_n3A_95 = arith.select %gt3A_87, %get3A_86, %select_n3A_81 : vector<16xi1>, vector<16xf32>
      %select_n3A_96 = arith.select %gt3A_87, %broadcast_in_dim3A_90, %select_n3A_82 : vector<16xi1>, vector<16xi32>
      %add3A_97 = arith.constant 768 : i32
      %add3A_98 = arith.addi %add3A_97, %mul3A_52 : i32
      %get3A_99 = arith.index_cast %add3A_98 : i32 to index
      %get3A_100 = tpu.vector_load %arg5[%get3A_99] {strides = array<i32>} : memref<4096xf32, #tpu.memory_space<vmem>>, vector<16xf32>,
      %gt3A_101 = arith.cmpf ogt, %get3A_100, %select_n3A_95 : vector<16xf32>
      %gt3A_102 = arith.cmpf ogt, %get3A_100, %select_n3A_92 : vector<16xf32>
      %broadcast_in_dim3A_103 = arith.constant 3 : i32
      %broadcast_in_dim3A_104 = vector.broadcast %broadcast_in_dim3A_103 : i32 to vector<16xi32>
      %select_n3A_105 = arith.select %gt3A_102, %get3A_100, %select_n3A_92 : vector<16xi1>, vector<16xf32>
      %select_n3A_106 = arith.select %gt3A_101, %select_n3A_95, %select_n3A_105 : vector<16xi1>, vector<16xf32>
      %select_n3A_107 = arith.select %gt3A_102, %broadcast_in_dim3A_104, %select_n3A_94 : vector<16xi1>, vector<16xi32>
      %select_n3A_108 = arith.select %gt3A_101, %select_n3A_96, %select_n3A_107 : vector<16xi1>, vector<16xi32>
      %select_n3A_109 = arith.select %gt3A_101, %get3A_100, %select_n3A_95 : vector<16xi1>, vector<16xf32>
      %select_n3A_110 = arith.select %gt3A_101, %broadcast_in_dim3A_104, %select_n3A_96 : vector<16xi1>, vector<16xi32>
      %add3A_111 = arith.constant 1024 : i32
      %add3A_112 = arith.addi %add3A_111, %mul3A_52 : i32
      %get3A_113 = arith.index_cast %add3A_112 : i32 to index
      %get3A_114 = tpu.vector_load %arg5[%get3A_113] {strides = array<i32>} : memref<4096xf32, #tpu.memory_space<vmem>>, vector<16xf32>,
      %gt3A_115 = arith.cmpf ogt, %get3A_114, %select_n3A_109 : vector<16xf32>
      %gt3A_116 = arith.cmpf ogt, %get3A_114, %select_n3A_106 : vector<16xf32>
      %broadcast_in_dim3A_117 = arith.constant 4 : i32
      %broadcast_in_dim3A_118 = vector.broadcast %broadcast_in_dim3A_117 : i32 to vector<16xi32>
      %select_n3A_119 = arith.select %gt3A_116, %get3A_114, %select_n3A_106 : vector<16xi1>, vector<16xf32>
      %select_n3A_120 = arith.select %gt3A_115, %select_n3A_109, %select_n3A_119 : vector<16xi1>, vector<16xf32>
      %select_n3A_121 = arith.select %gt3A_116, %broadcast_in_dim3A_118, %select_n3A_108 : vector<16xi1>, vector<16xi32>
      %select_n3A_122 = arith.select %gt3A_115, %select_n3A_110, %select_n3A_121 : vector<16xi1>, vector<16xi32>
      %select_n3A_123 = arith.select %gt3A_115, %get3A_114, %select_n3A_109 : vector<16xi1>, vector<16xf32>
      %select_n3A_124 = arith.select %gt3A_115, %broadcast_in_dim3A_118, %select_n3A_110 : vector<16xi1>, vector<16xi32>
      %add3A_125 = arith.constant 1280 : i32
      %add3A_126 = arith.addi %add3A_125, %mul3A_52 : i32
      %get3A_127 = arith.index_cast %add3A_126 : i32 to index
      %get3A_128 = tpu.vector_load %arg5[%get3A_127] {strides = array<i32>} : memref<4096xf32, #tpu.memory_space<vmem>>, vector<16xf32>,
      %gt3A_129 = arith.cmpf ogt, %get3A_128, %select_n3A_123 : vector<16xf32>
      %gt3A_130 = arith.cmpf ogt, %get3A_128, %select_n3A_120 : vector<16xf32>
      %broadcast_in_dim3A_131 = arith.constant 5 : i32
      %broadcast_in_dim3A_132 = vector.broadcast %broadcast_in_dim3A_131 : i32 to vector<16xi32>
      %select_n3A_133 = arith.select %gt3A_130, %get3A_128, %select_n3A_120 : vector<16xi1>, vector<16xf32>
      %select_n3A_134 = arith.select %gt3A_129, %select_n3A_123, %select_n3A_133 : vector<16xi1>, vector<16xf32>
      %select_n3A_135 = arith.select %gt3A_130, %broadcast_in_dim3A_132, %select_n3A_122 : vector<16xi1>, vector<16xi32>
      %select_n3A_136 = arith.select %gt3A_129, %select_n3A_124, %select_n3A_135 : vector<16xi1>, vector<16xi32>
      %select_n3A_137 = arith.select %gt3A_129, %get3A_128, %select_n3A_123 : vector<16xi1>, vector<16xf32>
      %select_n3A_138 = arith.select %gt3A_129, %broadcast_in_dim3A_132, %select_n3A_124 : vector<16xi1>, vector<16xi32>
      %add3A_139 = arith.constant 1536 : i32
      %add3A_140 = arith.addi %add3A_139, %mul3A_52 : i32
      %get3A_141 = arith.index_cast %add3A_140 : i32 to index
      %get3A_142 = tpu.vector_load %arg5[%get3A_141] {strides = array<i32>} : memref<4096xf32, #tpu.memory_space<vmem>>, vector<16xf32>,
      %gt3A_143 = arith.cmpf ogt, %get3A_142, %select_n3A_137 : vector<16xf32>
      %gt3A_144 = arith.cmpf ogt, %get3A_142, %select_n3A_134 : vector<16xf32>
      %broadcast_in_dim3A_145 = arith.constant 6 : i32
      %broadcast_in_dim3A_146 = vector.broadcast %broadcast_in_dim3A_145 : i32 to vector<16xi32>
      %select_n3A_147 = arith.select %gt3A_144, %get3A_142, %select_n3A_134 : vector<16xi1>, vector<16xf32>
      %select_n3A_148 = arith.select %gt3A_143, %select_n3A_137, %select_n3A_147 : vector<16xi1>, vector<16xf32>
      %select_n3A_149 = arith.select %gt3A_144, %broadcast_in_dim3A_146, %select_n3A_136 : vector<16xi1>, vector<16xi32>
      %select_n3A_150 = arith.select %gt3A_143, %select_n3A_138, %select_n3A_149 : vector<16xi1>, vector<16xi32>
      %select_n3A_151 = arith.select %gt3A_143, %get3A_142, %select_n3A_137 : vector<16xi1>, vector<16xf32>
      %select_n3A_152 = arith.select %gt3A_143, %broadcast_in_dim3A_146, %select_n3A_138 : vector<16xi1>, vector<16xi32>
      %add3A_153 = arith.constant 1792 : i32
      %add3A_154 = arith.addi %add3A_153, %mul3A_52 : i32
      %get3A_155 = arith.index_cast %add3A_154 : i32 to index
      %get3A_156 = tpu.vector_load %arg5[%get3A_155] {strides = array<i32>} : memref<4096xf32, #tpu.memory_space<vmem>>, vector<16xf32>,
      %gt3A_157 = arith.cmpf ogt, %get3A_156, %select_n3A_151 : vector<16xf32>
      %gt3A_158 = arith.cmpf ogt, %get3A_156, %select_n3A_148 : vector<16xf32>
      %broadcast_in_dim3A_159 = arith.constant 7 : i32
      %broadcast_in_dim3A_160 = vector.broadcast %broadcast_in_dim3A_159 : i32 to vector<16xi32>
      %select_n3A_161 = arith.select %gt3A_158, %get3A_156, %select_n3A_148 : vector<16xi1>, vector<16xf32>
      %select_n3A_162 = arith.select %gt3A_157, %select_n3A_151, %select_n3A_161 : vector<16xi1>, vector<16xf32>
      %select_n3A_163 = arith.select %gt3A_158, %broadcast_in_dim3A_160, %select_n3A_150 : vector<16xi1>, vector<16xi32>
      %select_n3A_164 = arith.select %gt3A_157, %select_n3A_152, %select_n3A_163 : vector<16xi1>, vector<16xi32>
      %select_n3A_165 = arith.select %gt3A_157, %get3A_156, %select_n3A_151 : vector<16xi1>, vector<16xf32>
      %select_n3A_166 = arith.select %gt3A_157, %broadcast_in_dim3A_160, %select_n3A_152 : vector<16xi1>, vector<16xi32>
      %add3A_167 = arith.constant 2048 : i32
      %add3A_168 = arith.addi %add3A_167, %mul3A_52 : i32
      %get3A_169 = arith.index_cast %add3A_168 : i32 to index
      %get3A_170 = tpu.vector_load %arg5[%get3A_169] {strides = array<i32>} : memref<4096xf32, #tpu.memory_space<vmem>>, vector<16xf32>,
      %gt3A_171 = arith.cmpf ogt, %get3A_170, %select_n3A_165 : vector<16xf32>
      %gt3A_172 = arith.cmpf ogt, %get3A_170, %select_n3A_162 : vector<16xf32>
      %broadcast_in_dim3A_173 = arith.constant 8 : i32
      %broadcast_in_dim3A_174 = vector.broadcast %broadcast_in_dim3A_173 : i32 to vector<16xi32>
      %select_n3A_175 = arith.select %gt3A_172, %get3A_170, %select_n3A_162 : vector<16xi1>, vector<16xf32>
      %select_n3A_176 = arith.select %gt3A_171, %select_n3A_165, %select_n3A_175 : vector<16xi1>, vector<16xf32>
      %select_n3A_177 = arith.select %gt3A_172, %broadcast_in_dim3A_174, %select_n3A_164 : vector<16xi1>, vector<16xi32>
      %select_n3A_178 = arith.select %gt3A_171, %select_n3A_166, %select_n3A_177 : vector<16xi1>, vector<16xi32>
      %select_n3A_179 = arith.select %gt3A_171, %get3A_170, %select_n3A_165 : vector<16xi1>, vector<16xf32>
      %select_n3A_180 = arith.select %gt3A_171, %broadcast_in_dim3A_174, %select_n3A_166 : vector<16xi1>, vector<16xi32>
      %add3A_181 = arith.constant 2304 : i32
      %add3A_182 = arith.addi %add3A_181, %mul3A_52 : i32
      %get3A_183 = arith.index_cast %add3A_182 : i32 to index
      %get3A_184 = tpu.vector_load %arg5[%get3A_183] {strides = array<i32>} : memref<4096xf32, #tpu.memory_space<vmem>>, vector<16xf32>,
      %gt3A_185 = arith.cmpf ogt, %get3A_184, %select_n3A_179 : vector<16xf32>
      %gt3A_186 = arith.cmpf ogt, %get3A_184, %select_n3A_176 : vector<16xf32>
      %broadcast_in_dim3A_187 = arith.constant 9 : i32
      %broadcast_in_dim3A_188 = vector.broadcast %broadcast_in_dim3A_187 : i32 to vector<16xi32>
      %select_n3A_189 = arith.select %gt3A_186, %get3A_184, %select_n3A_176 : vector<16xi1>, vector<16xf32>
      %select_n3A_190 = arith.select %gt3A_185, %select_n3A_179, %select_n3A_189 : vector<16xi1>, vector<16xf32>
      %select_n3A_191 = arith.select %gt3A_186, %broadcast_in_dim3A_188, %select_n3A_178 : vector<16xi1>, vector<16xi32>
      %select_n3A_192 = arith.select %gt3A_185, %select_n3A_180, %select_n3A_191 : vector<16xi1>, vector<16xi32>
      %select_n3A_193 = arith.select %gt3A_185, %get3A_184, %select_n3A_179 : vector<16xi1>, vector<16xf32>
      %select_n3A_194 = arith.select %gt3A_185, %broadcast_in_dim3A_188, %select_n3A_180 : vector<16xi1>, vector<16xi32>
      %add3A_195 = arith.constant 2560 : i32
      %add3A_196 = arith.addi %add3A_195, %mul3A_52 : i32
      %get3A_197 = arith.index_cast %add3A_196 : i32 to index
      %get3A_198 = tpu.vector_load %arg5[%get3A_197] {strides = array<i32>} : memref<4096xf32, #tpu.memory_space<vmem>>, vector<16xf32>,
      %gt3A_199 = arith.cmpf ogt, %get3A_198, %select_n3A_193 : vector<16xf32>
      %gt3A_200 = arith.cmpf ogt, %get3A_198, %select_n3A_190 : vector<16xf32>
      %broadcast_in_dim3A_201 = arith.constant 10 : i32
      %broadcast_in_dim3A_202 = vector.broadcast %broadcast_in_dim3A_201 : i32 to vector<16xi32>
      %select_n3A_203 = arith.select %gt3A_200, %get3A_198, %select_n3A_190 : vector<16xi1>, vector<16xf32>
      %select_n3A_204 = arith.select %gt3A_199, %select_n3A_193, %select_n3A_203 : vector<16xi1>, vector<16xf32>
      %select_n3A_205 = arith.select %gt3A_200, %broadcast_in_dim3A_202, %select_n3A_192 : vector<16xi1>, vector<16xi32>
      %select_n3A_206 = arith.select %gt3A_199, %select_n3A_194, %select_n3A_205 : vector<16xi1>, vector<16xi32>
      %select_n3A_207 = arith.select %gt3A_199, %get3A_198, %select_n3A_193 : vector<16xi1>, vector<16xf32>
      %select_n3A_208 = arith.select %gt3A_199, %broadcast_in_dim3A_202, %select_n3A_194 : vector<16xi1>, vector<16xi32>
      %add3A_209 = arith.constant 2816 : i32
      %add3A_210 = arith.addi %add3A_209, %mul3A_52 : i32
      %get3A_211 = arith.index_cast %add3A_210 : i32 to index
      %get3A_212 = tpu.vector_load %arg5[%get3A_211] {strides = array<i32>} : memref<4096xf32, #tpu.memory_space<vmem>>, vector<16xf32>,
      %gt3A_213 = arith.cmpf ogt, %get3A_212, %select_n3A_207 : vector<16xf32>
      %gt3A_214 = arith.cmpf ogt, %get3A_212, %select_n3A_204 : vector<16xf32>
      %broadcast_in_dim3A_215 = arith.constant 11 : i32
      %broadcast_in_dim3A_216 = vector.broadcast %broadcast_in_dim3A_215 : i32 to vector<16xi32>
      %select_n3A_217 = arith.select %gt3A_214, %get3A_212, %select_n3A_204 : vector<16xi1>, vector<16xf32>
      %select_n3A_218 = arith.select %gt3A_213, %select_n3A_207, %select_n3A_217 : vector<16xi1>, vector<16xf32>
      %select_n3A_219 = arith.select %gt3A_214, %broadcast_in_dim3A_216, %select_n3A_206 : vector<16xi1>, vector<16xi32>
      %select_n3A_220 = arith.select %gt3A_213, %select_n3A_208, %select_n3A_219 : vector<16xi1>, vector<16xi32>
      %select_n3A_221 = arith.select %gt3A_213, %get3A_212, %select_n3A_207 : vector<16xi1>, vector<16xf32>
      %select_n3A_222 = arith.select %gt3A_213, %broadcast_in_dim3A_216, %select_n3A_208 : vector<16xi1>, vector<16xi32>
      %add3A_223 = arith.constant 3072 : i32
      %add3A_224 = arith.addi %add3A_223, %mul3A_52 : i32
      %get3A_225 = arith.index_cast %add3A_224 : i32 to index
      %get3A_226 = tpu.vector_load %arg5[%get3A_225] {strides = array<i32>} : memref<4096xf32, #tpu.memory_space<vmem>>, vector<16xf32>,
      %gt3A_227 = arith.cmpf ogt, %get3A_226, %select_n3A_221 : vector<16xf32>
      %gt3A_228 = arith.cmpf ogt, %get3A_226, %select_n3A_218 : vector<16xf32>
      %broadcast_in_dim3A_229 = arith.constant 12 : i32
      %broadcast_in_dim3A_230 = vector.broadcast %broadcast_in_dim3A_229 : i32 to vector<16xi32>
      %select_n3A_231 = arith.select %gt3A_228, %get3A_226, %select_n3A_218 : vector<16xi1>, vector<16xf32>
      %select_n3A_232 = arith.select %gt3A_227, %select_n3A_221, %select_n3A_231 : vector<16xi1>, vector<16xf32>
      %select_n3A_233 = arith.select %gt3A_228, %broadcast_in_dim3A_230, %select_n3A_220 : vector<16xi1>, vector<16xi32>
      %select_n3A_234 = arith.select %gt3A_227, %select_n3A_222, %select_n3A_233 : vector<16xi1>, vector<16xi32>
      %select_n3A_235 = arith.select %gt3A_227, %get3A_226, %select_n3A_221 : vector<16xi1>, vector<16xf32>
      %select_n3A_236 = arith.select %gt3A_227, %broadcast_in_dim3A_230, %select_n3A_222 : vector<16xi1>, vector<16xi32>
      %add3A_237 = arith.constant 3328 : i32
      %add3A_238 = arith.addi %add3A_237, %mul3A_52 : i32
      %get3A_239 = arith.index_cast %add3A_238 : i32 to index
      %get3A_240 = tpu.vector_load %arg5[%get3A_239] {strides = array<i32>} : memref<4096xf32, #tpu.memory_space<vmem>>, vector<16xf32>,
      %gt3A_241 = arith.cmpf ogt, %get3A_240, %select_n3A_235 : vector<16xf32>
      %gt3A_242 = arith.cmpf ogt, %get3A_240, %select_n3A_232 : vector<16xf32>
      %broadcast_in_dim3A_243 = arith.constant 13 : i32
      %broadcast_in_dim3A_244 = vector.broadcast %broadcast_in_dim3A_243 : i32 to vector<16xi32>
      %select_n3A_245 = arith.select %gt3A_242, %get3A_240, %select_n3A_232 : vector<16xi1>, vector<16xf32>
      %select_n3A_246 = arith.select %gt3A_241, %select_n3A_235, %select_n3A_245 : vector<16xi1>, vector<16xf32>
      %select_n3A_247 = arith.select %gt3A_242, %broadcast_in_dim3A_244, %select_n3A_234 : vector<16xi1>, vector<16xi32>
      %select_n3A_248 = arith.select %gt3A_241, %select_n3A_236, %select_n3A_247 : vector<16xi1>, vector<16xi32>
      %select_n3A_249 = arith.select %gt3A_241, %get3A_240, %select_n3A_235 : vector<16xi1>, vector<16xf32>
      %select_n3A_250 = arith.select %gt3A_241, %broadcast_in_dim3A_244, %select_n3A_236 : vector<16xi1>, vector<16xi32>
      %add3A_251 = arith.constant 3584 : i32
      %add3A_252 = arith.addi %add3A_251, %mul3A_52 : i32
      %get3A_253 = arith.index_cast %add3A_252 : i32 to index
      %get3A_254 = tpu.vector_load %arg5[%get3A_253] {strides = array<i32>} : memref<4096xf32, #tpu.memory_space<vmem>>, vector<16xf32>,
      %gt3A_255 = arith.cmpf ogt, %get3A_254, %select_n3A_249 : vector<16xf32>
      %gt3A_256 = arith.cmpf ogt, %get3A_254, %select_n3A_246 : vector<16xf32>
      %broadcast_in_dim3A_257 = arith.constant 14 : i32
      %broadcast_in_dim3A_258 = vector.broadcast %broadcast_in_dim3A_257 : i32 to vector<16xi32>
      %select_n3A_259 = arith.select %gt3A_256, %get3A_254, %select_n3A_246 : vector<16xi1>, vector<16xf32>
      %select_n3A_260 = arith.select %gt3A_255, %select_n3A_249, %select_n3A_259 : vector<16xi1>, vector<16xf32>
      %select_n3A_261 = arith.select %gt3A_256, %broadcast_in_dim3A_258, %select_n3A_248 : vector<16xi1>, vector<16xi32>
      %select_n3A_262 = arith.select %gt3A_255, %select_n3A_250, %select_n3A_261 : vector<16xi1>, vector<16xi32>
      %select_n3A_263 = arith.select %gt3A_255, %get3A_254, %select_n3A_249 : vector<16xi1>, vector<16xf32>
      %select_n3A_264 = arith.select %gt3A_255, %broadcast_in_dim3A_258, %select_n3A_250 : vector<16xi1>, vector<16xi32>
      %add3A_265 = arith.constant 3840 : i32
      %add3A_266 = arith.addi %add3A_265, %mul3A_52 : i32
      %get3A_267 = arith.index_cast %add3A_266 : i32 to index
      %get3A_268 = tpu.vector_load %arg5[%get3A_267] {strides = array<i32>} : memref<4096xf32, #tpu.memory_space<vmem>>, vector<16xf32>,
      %gt3A_269 = arith.cmpf ogt, %get3A_268, %select_n3A_263 : vector<16xf32>
      %gt3A_270 = arith.cmpf ogt, %get3A_268, %select_n3A_260 : vector<16xf32>
      %broadcast_in_dim3A_271 = arith.constant 15 : i32
      %broadcast_in_dim3A_272 = vector.broadcast %broadcast_in_dim3A_271 : i32 to vector<16xi32>
      %select_n3A_273 = arith.select %gt3A_270, %get3A_268, %select_n3A_260 : vector<16xi1>, vector<16xf32>
      %select_n3A_274 = arith.select %gt3A_269, %select_n3A_263, %select_n3A_273 : vector<16xi1>, vector<16xf32>
      %select_n3A_275 = arith.select %gt3A_270, %broadcast_in_dim3A_272, %select_n3A_262 : vector<16xi1>, vector<16xi32>
      %select_n3A_276 = arith.select %gt3A_269, %select_n3A_264, %select_n3A_275 : vector<16xi1>, vector<16xi32>
      %select_n3A_277 = arith.select %gt3A_269, %get3A_268, %select_n3A_263 : vector<16xi1>, vector<16xf32>
      %select_n3A_278 = arith.select %gt3A_269, %broadcast_in_dim3A_272, %select_n3A_264 : vector<16xi1>, vector<16xi32>
      %sub3A = arith.subf %select_n3A_274, %select_n3A_277 : vector<16xf32>
      %exp3A = math.exp %sub3A : vector<16xf32>
      %add3A_279 = arith.constant 1.000000e+00 : f32
      %add3A_280 = vector.broadcast %add3A_279 : f32 to vector<16xf32>
      %add3A_281 = arith.addf %add3A_280, %exp3A : vector<16xf32>
      %div3A = arith.constant 1.000000e+00 : f32
      %div3A_282 = vector.broadcast %div3A : f32 to vector<16xf32>
      %div3A_283 = arith.divf %div3A_282, %add3A_281 : vector<16xf32>
      %div3A_284 = arith.divf %exp3A, %add3A_281 : vector<16xf32>
      %broadcast_in_dim3A_285 = arith.constant 0.000000e+00 : f32
      %broadcast_in_dim3A_286 = vector.broadcast %broadcast_in_dim3A_285 : f32 to vector<16xf32>
      %mul3A_287 = arith.constant 16 : i32
      %mul3A_288 = vector.broadcast %mul3A_287 : i32 to vector<16xi32>
      %mul3A_289 = arith.muli %add3A_54, %mul3A_288 : vector<16xi32>
      %add3A_290 = arith.constant 0 : i32
      %add3A_291 = arith.addi %mul3A_52, %add3A_290 : i32
      %mul3A_292 = arith.constant 16 : i32
      %mul3A_293 = arith.muli %add3A_291, %mul3A_292 : i32
      %swap3A = arith.index_cast %mul3A_293 : i32 to index
      %swap3A_294 = tpu.vector_load %arg6[%swap3A] {strides = array<i32>} : memref<4096xf32, #tpu.memory_space<vmem>>, vector<16xf32>,
      tpu.vector_store %arg6[%swap3A], %broadcast_in_dim3A_286 {strides = array<i32>} : memref<4096xf32, #tpu.memory_space<vmem>>, vector<16xf32>,
      %add3A_295 = arith.constant 1 : i32
      %add3A_296 = arith.addi %mul3A_52, %add3A_295 : i32
      %mul3A_297 = arith.constant 16 : i32
      %mul3A_298 = arith.muli %add3A_296, %mul3A_297 : i32
      %swap3A_299 = arith.index_cast %mul3A_298 : i32 to index
      %swap3A_300 = tpu.vector_load %arg6[%swap3A_299] {strides = array<i32>} : memref<4096xf32, #tpu.memory_space<vmem>>, vector<16xf32>,
      tpu.vector_store %arg6[%swap3A_299], %broadcast_in_dim3A_286 {strides = array<i32>} : memref<4096xf32, #tpu.memory_space<vmem>>, vector<16xf32>,
      %add3A_301 = arith.constant 2 : i32
      %add3A_302 = arith.addi %mul3A_52, %add3A_301 : i32
      %mul3A_303 = arith.constant 16 : i32
      %mul3A_304 = arith.muli %add3A_302, %mul3A_303 : i32
      %swap3A_305 = arith.index_cast %mul3A_304 : i32 to index
      %swap3A_306 = tpu.vector_load %arg6[%swap3A_305] {strides = array<i32>} : memref<4096xf32, #tpu.memory_space<vmem>>, vector<16xf32>,
      tpu.vector_store %arg6[%swap3A_305], %broadcast_in_dim3A_286 {strides = array<i32>} : memref<4096xf32, #tpu.memory_space<vmem>>, vector<16xf32>,
      %add3A_307 = arith.constant 3 : i32
      %add3A_308 = arith.addi %mul3A_52, %add3A_307 : i32
      %mul3A_309 = arith.constant 16 : i32
      %mul3A_310 = arith.muli %add3A_308, %mul3A_309 : i32
      %swap3A_311 = arith.index_cast %mul3A_310 : i32 to index
      %swap3A_312 = tpu.vector_load %arg6[%swap3A_311] {strides = array<i32>} : memref<4096xf32, #tpu.memory_space<vmem>>, vector<16xf32>,
      tpu.vector_store %arg6[%swap3A_311], %broadcast_in_dim3A_286 {strides = array<i32>} : memref<4096xf32, #tpu.memory_space<vmem>>, vector<16xf32>,
      %add3A_313 = arith.constant 4 : i32
      %add3A_314 = arith.addi %mul3A_52, %add3A_313 : i32
      %mul3A_315 = arith.constant 16 : i32
      %mul3A_316 = arith.muli %add3A_314, %mul3A_315 : i32
      %swap3A_317 = arith.index_cast %mul3A_316 : i32 to index
      %swap3A_318 = tpu.vector_load %arg6[%swap3A_317] {strides = array<i32>} : memref<4096xf32, #tpu.memory_space<vmem>>, vector<16xf32>,
      tpu.vector_store %arg6[%swap3A_317], %broadcast_in_dim3A_286 {strides = array<i32>} : memref<4096xf32, #tpu.memory_space<vmem>>, vector<16xf32>,
      %add3A_319 = arith.constant 5 : i32
      %add3A_320 = arith.addi %mul3A_52, %add3A_319 : i32
      %mul3A_321 = arith.constant 16 : i32
      %mul3A_322 = arith.muli %add3A_320, %mul3A_321 : i32
      %swap3A_323 = arith.index_cast %mul3A_322 : i32 to index
      %swap3A_324 = tpu.vector_load %arg6[%swap3A_323] {strides = array<i32>} : memref<4096xf32, #tpu.memory_space<vmem>>, vector<16xf32>,
      tpu.vector_store %arg6[%swap3A_323], %broadcast_in_dim3A_286 {strides = array<i32>} : memref<4096xf32, #tpu.memory_space<vmem>>, vector<16xf32>,
      %add3A_325 = arith.constant 6 : i32
      %add3A_326 = arith.addi %mul3A_52, %add3A_325 : i32
      %mul3A_327 = arith.constant 16 : i32
      %mul3A_328 = arith.muli %add3A_326, %mul3A_327 : i32
      %swap3A_329 = arith.index_cast %mul3A_328 : i32 to index
      %swap3A_330 = tpu.vector_load %arg6[%swap3A_329] {strides = array<i32>} : memref<4096xf32, #tpu.memory_space<vmem>>, vector<16xf32>,
      tpu.vector_store %arg6[%swap3A_329], %broadcast_in_dim3A_286 {strides = array<i32>} : memref<4096xf32, #tpu.memory_space<vmem>>, vector<16xf32>,
      %add3A_331 = arith.constant 7 : i32
      %add3A_332 = arith.addi %mul3A_52, %add3A_331 : i32
      %mul3A_333 = arith.constant 16 : i32
      %mul3A_334 = arith.muli %add3A_332, %mul3A_333 : i32
      %swap3A_335 = arith.index_cast %mul3A_334 : i32 to index
      %swap3A_336 = tpu.vector_load %arg6[%swap3A_335] {strides = array<i32>} : memref<4096xf32, #tpu.memory_space<vmem>>, vector<16xf32>,
      tpu.vector_store %arg6[%swap3A_335], %broadcast_in_dim3A_286 {strides = array<i32>} : memref<4096xf32, #tpu.memory_space<vmem>>, vector<16xf32>,
      %add3A_337 = arith.constant 8 : i32
      %add3A_338 = arith.addi %mul3A_52, %add3A_337 : i32
      %mul3A_339 = arith.constant 16 : i32
      %mul3A_340 = arith.muli %add3A_338, %mul3A_339 : i32
      %swap3A_341 = arith.index_cast %mul3A_340 : i32 to index
      %swap3A_342 = tpu.vector_load %arg6[%swap3A_341] {strides = array<i32>} : memref<4096xf32, #tpu.memory_space<vmem>>, vector<16xf32>,
      tpu.vector_store %arg6[%swap3A_341], %broadcast_in_dim3A_286 {strides = array<i32>} : memref<4096xf32, #tpu.memory_space<vmem>>, vector<16xf32>,
      %add3A_343 = arith.constant 9 : i32
      %add3A_344 = arith.addi %mul3A_52, %add3A_343 : i32
      %mul3A_345 = arith.constant 16 : i32
      %mul3A_346 = arith.muli %add3A_344, %mul3A_345 : i32
      %swap3A_347 = arith.index_cast %mul3A_346 : i32 to index
      %swap3A_348 = tpu.vector_load %arg6[%swap3A_347] {strides = array<i32>} : memref<4096xf32, #tpu.memory_space<vmem>>, vector<16xf32>,
      tpu.vector_store %arg6[%swap3A_347], %broadcast_in_dim3A_286 {strides = array<i32>} : memref<4096xf32, #tpu.memory_space<vmem>>, vector<16xf32>,
      %add3A_349 = arith.constant 10 : i32
      %add3A_350 = arith.addi %mul3A_52, %add3A_349 : i32
      %mul3A_351 = arith.constant 16 : i32
      %mul3A_352 = arith.muli %add3A_350, %mul3A_351 : i32
      %swap3A_353 = arith.index_cast %mul3A_352 : i32 to index
      %swap3A_354 = tpu.vector_load %arg6[%swap3A_353] {strides = array<i32>} : memref<4096xf32, #tpu.memory_space<vmem>>, vector<16xf32>,
      tpu.vector_store %arg6[%swap3A_353], %broadcast_in_dim3A_286 {strides = array<i32>} : memref<4096xf32, #tpu.memory_space<vmem>>, vector<16xf32>,
      %add3A_355 = arith.constant 11 : i32
      %add3A_356 = arith.addi %mul3A_52, %add3A_355 : i32
      %mul3A_357 = arith.constant 16 : i32
      %mul3A_358 = arith.muli %add3A_356, %mul3A_357 : i32
      %swap3A_359 = arith.index_cast %mul3A_358 : i32 to index
      %swap3A_360 = tpu.vector_load %arg6[%swap3A_359] {strides = array<i32>} : memref<4096xf32, #tpu.memory_space<vmem>>, vector<16xf32>,
      tpu.vector_store %arg6[%swap3A_359], %broadcast_in_dim3A_286 {strides = array<i32>} : memref<4096xf32, #tpu.memory_space<vmem>>, vector<16xf32>,
      %add3A_361 = arith.constant 12 : i32
      %add3A_362 = arith.addi %mul3A_52, %add3A_361 : i32
      %mul3A_363 = arith.constant 16 : i32
      %mul3A_364 = arith.muli %add3A_362, %mul3A_363 : i32
      %swap3A_365 = arith.index_cast %mul3A_364 : i32 to index
      %swap3A_366 = tpu.vector_load %arg6[%swap3A_365] {strides = array<i32>} : memref<4096xf32, #tpu.memory_space<vmem>>, vector<16xf32>,
      tpu.vector_store %arg6[%swap3A_365], %broadcast_in_dim3A_286 {strides = array<i32>} : memref<4096xf32, #tpu.memory_space<vmem>>, vector<16xf32>,
      %add3A_367 = arith.constant 13 : i32
      %add3A_368 = arith.addi %mul3A_52, %add3A_367 : i32
      %mul3A_369 = arith.constant 16 : i32
      %mul3A_370 = arith.muli %add3A_368, %mul3A_369 : i32
      %swap3A_371 = arith.index_cast %mul3A_370 : i32 to index
      %swap3A_372 = tpu.vector_load %arg6[%swap3A_371] {strides = array<i32>} : memref<4096xf32, #tpu.memory_space<vmem>>, vector<16xf32>,
      tpu.vector_store %arg6[%swap3A_371], %broadcast_in_dim3A_286 {strides = array<i32>} : memref<4096xf32, #tpu.memory_space<vmem>>, vector<16xf32>,
      %add3A_373 = arith.constant 14 : i32
      %add3A_374 = arith.addi %mul3A_52, %add3A_373 : i32
      %mul3A_375 = arith.constant 16 : i32
      %mul3A_376 = arith.muli %add3A_374, %mul3A_375 : i32
      %swap3A_377 = arith.index_cast %mul3A_376 : i32 to index
      %swap3A_378 = tpu.vector_load %arg6[%swap3A_377] {strides = array<i32>} : memref<4096xf32, #tpu.memory_space<vmem>>, vector<16xf32>,
      tpu.vector_store %arg6[%swap3A_377], %broadcast_in_dim3A_286 {strides = array<i32>} : memref<4096xf32, #tpu.memory_space<vmem>>, vector<16xf32>,
      %add3A_379 = arith.constant 15 : i32
      %add3A_380 = arith.addi %mul3A_52, %add3A_379 : i32
      %mul3A_381 = arith.constant 16 : i32
      %mul3A_382 = arith.muli %add3A_380, %mul3A_381 : i32
      %swap3A_383 = arith.index_cast %mul3A_382 : i32 to index
      %swap3A_384 = tpu.vector_load %arg6[%swap3A_383] {strides = array<i32>} : memref<4096xf32, #tpu.memory_space<vmem>>, vector<16xf32>,
      tpu.vector_store %arg6[%swap3A_383], %broadcast_in_dim3A_286 {strides = array<i32>} : memref<4096xf32, #tpu.memory_space<vmem>>, vector<16xf32>,
      %add3A_385 = arith.addi %mul3A_289, %select_n3A_278 : vector<16xi32>
      tpu.vector_store_idx %arg6[%add3A_385], %div3A_283 : memref<4096xf32, #tpu.memory_space<vmem>>[vector<16xi32>], vector<16xf32>,
      %add3A_386 = arith.addi %mul3A_289, %select_n3A_276 : vector<16xi32>
      tpu.vector_store_idx %arg6[%add3A_386], %div3A_284 : memref<4096xf32, #tpu.memory_space<vmem>>[vector<16xi32>], vector<16xf32>,
      %mul3A_387 = arith.constant 2 : i32
      %mul3A_388 = vector.broadcast %mul3A_387 : i32 to vector<16xi32>
      %mul3A_389 = arith.muli %add3A_54, %mul3A_388 : vector<16xi32>
      tpu.vector_store_idx %arg7[%mul3A_389], %select_n3A_278 : memref<512xi32, #tpu.memory_space<vmem>>[vector<16xi32>], vector<16xi32>,
      %add3A_390 = arith.constant 1 : i32
      %add3A_391 = vector.broadcast %add3A_390 : i32 to vector<16xi32>
      %add3A_392 = arith.addi %mul3A_389, %add3A_391 : vector<16xi32>
      tpu.vector_store_idx %arg7[%add3A_392], %select_n3A_276 : memref<512xi32, #tpu.memory_space<vmem>>[vector<16xi32>], vector<16xi32>,
    }
    %scan3A_22 = arith.constant 8 : i32
    %mul3A_23 = arith.constant 16 : i32
    %mul3A_24 = arith.muli %mul3A_2, %mul3A_23 : i32
    %add3A_25 = arith.constant 2048 : i32
    %add3A_26 = arith.addi %mul3A_24, %add3A_25 : i32
    %dma_start3A_27 = arith.constant 2048 : i32
    %dma_start3A_28 = tpu.memref_slice %arg6[%dma_start3A_27] : memref<4096xf32, #tpu.memory_space<vmem>> -> memref<2048xf32, #tpu.memory_space<vmem>>
    %dma_start3A_29 = tpu.memref_slice %arg3[%add3A_26] : memref<131072xf32, #tpu.memory_space<hbm>> -> memref<2048xf32, #tpu.memory_space<hbm>>
    %dma_start3A_30 = tpu.memref_slice %arg3[%add3A_26] : memref<131072xf32, #tpu.memory_space<hbm>> -> memref<2048xf32, #tpu.memory_space<hbm>>
    %dma_start3A_31 = arith.constant 2048 : i32
    %dma_start3A_32 = tpu.memref_slice %arg6[%dma_start3A_31] : memref<4096xf32, #tpu.memory_space<vmem>> -> memref<2048xf32, #tpu.memory_space<vmem>>
    tpu.enqueue_dma source(%dma_start3A_32 : memref<2048xf32, #tpu.memory_space<vmem>>) target(%dma_start3A_30 : memref<2048xf32, #tpu.memory_space<hbm>>) target_semaphore(%arg8 : memref<!tpu.dma_semaphore, #tpu.memory_space<semaphore_mem>>)
    %mul3A_33 = arith.constant 2 : i32
    %mul3A_34 = arith.muli %mul3A_2, %mul3A_33 : i32
    %dma_start3A_35 = tpu.memref_slice %arg4[%mul3A_34] : memref<16384xi32, #tpu.memory_space<hbm>> -> memref<512xi32, #tpu.memory_space<hbm>>
    %dma_start3A_36 = tpu.memref_slice %arg4[%mul3A_34] : memref<16384xi32, #tpu.memory_space<hbm>> -> memref<512xi32, #tpu.memory_space<hbm>>
    tpu.enqueue_dma source(%arg7 : memref<512xi32, #tpu.memory_space<vmem>>) target(%dma_start3A_36 : memref<512xi32, #tpu.memory_space<hbm>>) target_semaphore(%arg8 : memref<!tpu.dma_semaphore, #tpu.memory_space<semaphore_mem>>)
    %dma_wait3A = arith.constant 0 : i32
    %dma_wait3A_37 = tpu.memref_slice %arg6[%dma_wait3A] : memref<4096xf32, #tpu.memory_space<vmem>> -> memref<2048xf32, #tpu.memory_space<vmem>>
    %dma_wait3A_38 = tpu.memref_slice %arg3[%mul3A_11] : memref<131072xf32, #tpu.memory_space<hbm>> -> memref<2048xf32, #tpu.memory_space<hbm>>
    %dma_wait3A_39 = tpu.memref_slice %arg3[%mul3A_11] : memref<131072xf32, #tpu.memory_space<hbm>> -> memref<2048xf32, #tpu.memory_space<hbm>>
    %dma_wait3A_40 = arith.constant 0 : i32
    %dma_wait3A_41 = tpu.memref_slice %arg6[%dma_wait3A_40] : memref<4096xf32, #tpu.memory_space<vmem>> -> memref<2048xf32, #tpu.memory_space<vmem>>
    tpu.wait_dma2 semaphore(%arg8 : memref<!tpu.dma_semaphore, #tpu.memory_space<semaphore_mem>>) src(%dma_wait3A_41 : memref<2048xf32, #tpu.memory_space<vmem>>) dst(%dma_wait3A_39 : memref<2048xf32, #tpu.memory_space<hbm>>)
    %dma_wait3A_42 = arith.constant 2048 : i32
    %dma_wait3A_43 = tpu.memref_slice %arg6[%dma_wait3A_42] : memref<4096xf32, #tpu.memory_space<vmem>> -> memref<2048xf32, #tpu.memory_space<vmem>>
    %dma_wait3A_44 = tpu.memref_slice %arg3[%add3A_26] : memref<131072xf32, #tpu.memory_space<hbm>> -> memref<2048xf32, #tpu.memory_space<hbm>>
    %dma_wait3A_45 = tpu.memref_slice %arg3[%add3A_26] : memref<131072xf32, #tpu.memory_space<hbm>> -> memref<2048xf32, #tpu.memory_space<hbm>>
    %dma_wait3A_46 = arith.constant 2048 : i32
    %dma_wait3A_47 = tpu.memref_slice %arg6[%dma_wait3A_46] : memref<4096xf32, #tpu.memory_space<vmem>> -> memref<2048xf32, #tpu.memory_space<vmem>>
    tpu.wait_dma2 semaphore(%arg8 : memref<!tpu.dma_semaphore, #tpu.memory_space<semaphore_mem>>) src(%dma_wait3A_47 : memref<2048xf32, #tpu.memory_space<vmem>>) dst(%dma_wait3A_45 : memref<2048xf32, #tpu.memory_space<hbm>>)
    %dma_wait3A_48 = tpu.memref_slice %arg4[%mul3A_34] : memref<16384xi32, #tpu.memory_space<hbm>> -> memref<512xi32, #tpu.memory_space<hbm>>
    %dma_wait3A_49 = tpu.memref_slice %arg4[%mul3A_34] : memref<16384xi32, #tpu.memory_space<hbm>> -> memref<512xi32, #tpu.memory_space<hbm>>
    tpu.wait_dma2 semaphore(%arg8 : memref<!tpu.dma_semaphore, #tpu.memory_space<semaphore_mem>>) src(%arg7 : memref<512xi32, #tpu.memory_space<vmem>>) dst(%dma_wait3A_49 : memref<512xi32, #tpu.memory_space<hbm>>)
    return
  }
}

module attributes {stable_mosaic.version = 14 : i64} {
  func.func @_noisy_logits_body(%arg0: i32, %arg1: memref<1024x2048xf32, #tpu.memory_space<vmem>>, %arg2: memref<32x2048xf32, #tpu.memory_space<vmem>>, %arg3: memref<32x1xf32, #tpu.memory_space<vmem>>, %arg4: memref<16x1024xf32, #tpu.memory_space<vmem>>, %arg5: memref<4x16x256xf32, #tpu.memory_space<vmem>>) attributes {dimension_semantics = [#tpu.dimension_semantics<arbitrary>], iteration_bounds = array<i64: 8>, scalar_prefetch = 0 : i64, scratch_operands = 0 : i64, tpu.core_type = #tpu.core_type<tc>, window_params = [{transform_indices = @transform_0, window_bounds = array<i64: 1024, 2048>}, {pipeline_mode = #tpu.pipeline_mode<synchronous>, transform_indices = @transform_1, window_bounds = array<i64: 32, 2048>}, {pipeline_mode = #tpu.pipeline_mode<synchronous>, transform_indices = @transform_2, window_bounds = array<i64: 32, 1>}, {transform_indices = @transform_3, window_bounds = array<i64: 16, 1024>}, {transform_indices = @transform_4, window_bounds = array<i64: 4, 16, 256>}]} {
    %get3A = arith.constant 0 : index
    %get3A_0 = arith.constant 0 : index
    %get3A_1 = vector.load %arg2[%get3A, %get3A_0] : memref<32x2048xf32, #tpu.memory_space<vmem>>, vector<32x2048xf32>
    %get3A_2 = arith.constant 0 : index
    %get3A_3 = arith.constant 0 : index
    %get3A_4 = vector.load %arg1[%get3A_2, %get3A_3] : memref<1024x2048xf32, #tpu.memory_space<vmem>>, vector<1024x2048xf32>
    %dot_general3A = arith.constant dense<0.000000e+00> : vector<32x1024xf32>
    %dot_general3A_5 = tpu.matmul %get3A_1, %get3A_4, %dot_general3A {dimension_numbers = #tpu.dot_dimension_numbers<[1], [1], [0], [0], [0, 0, 1, 0], [], []>, transpose_lhs_hint = false} : vector<32x2048xf32>, vector<1024x2048xf32>, vector<32x1024xf32> -> vector<32x1024xf32>
    %get3A_6 = arith.constant 0 : index
    %get3A_7 = arith.constant 0 : index
    %get3A_8 = vector.load %arg3[%get3A_6, %get3A_7] : memref<32x1xf32, #tpu.memory_space<vmem>>, vector<32x1xf32>
    %add3A = vector.broadcast %get3A_8 : vector<32x1xf32> to vector<32x1024xf32>
    %add3A_9 = arith.addf %dot_general3A_5, %add3A : vector<32x1024xf32>
    %slice3A = vector.extract_strided_slice %add3A_9 {offsets = [0, 0], sizes = [16, 1024], strides = [1, 1]} : vector<32x1024xf32> to vector<16x1024xf32>
    %slice3A_10 = vector.extract_strided_slice %add3A_9 {offsets = [16, 0], sizes = [16, 1024], strides = [1, 1]} : vector<32x1024xf32> to vector<16x1024xf32>
    %max3A = arith.constant 0.000000e+00 : f32
    %max3A_11 = vector.broadcast %max3A : f32 to vector<16x1024xf32>
    %max3A_12 = arith.maximumf %slice3A_10, %max3A_11 : vector<16x1024xf32>
    %abs3A = math.absf %slice3A_10 : vector<16x1024xf32>
    %neg3A = arith.constant 0.000000e+00 : f32
    %neg3A_13 = vector.broadcast %neg3A : f32 to vector<16x1024xf32>
    %neg3A_14 = arith.subf %neg3A_13, %abs3A : vector<16x1024xf32>
    %exp3A = math.exp %neg3A_14 : vector<16x1024xf32>
    %log1p3A = math.log1p %exp3A : vector<16x1024xf32>
    %add3A_15 = arith.addf %max3A_12, %log1p3A : vector<16x1024xf32>
    %get3A_16 = arith.constant 0 : index
    %get3A_17 = arith.constant 0 : index
    %get3A_18 = vector.load %arg4[%get3A_16, %get3A_17] : memref<16x1024xf32, #tpu.memory_space<vmem>>, vector<16x1024xf32>
    %mul3A = arith.mulf %get3A_18, %add3A_15 : vector<16x1024xf32>
    %add3A_19 = arith.addf %slice3A, %mul3A : vector<16x1024xf32>
    %slice3A_20 = vector.extract_strided_slice %add3A_19 {offsets = [0, 0], sizes = [16, 256], strides = [1, 1]} : vector<16x1024xf32> to vector<16x256xf32>
    %swap3A = arith.constant 0 : index
    %swap3A_21 = arith.constant 0 : index
    %swap3A_22 = arith.constant 0 : index
    %swap3A_23 = vector.load %arg5[%swap3A, %swap3A_21, %swap3A_22] : memref<4x16x256xf32, #tpu.memory_space<vmem>>, vector<1x16x256xf32>
    %swap3A_24 = vector.shape_cast %swap3A_23 : vector<1x16x256xf32> to vector<16x256xf32>
    %swap3A_25 = vector.shape_cast %slice3A_20 : vector<16x256xf32> to vector<1x16x256xf32>
    tpu.vector_store %arg5[%swap3A, %swap3A_21, %swap3A_22], %swap3A_25 {strides = array<i32>} : memref<4x16x256xf32, #tpu.memory_space<vmem>>, vector<1x16x256xf32>,
    %slice3A_26 = vector.extract_strided_slice %add3A_19 {offsets = [0, 256], sizes = [16, 256], strides = [1, 1]} : vector<16x1024xf32> to vector<16x256xf32>
    %swap3A_27 = arith.constant 1 : index
    %swap3A_28 = arith.constant 0 : index
    %swap3A_29 = arith.constant 0 : index
    %swap3A_30 = vector.load %arg5[%swap3A_27, %swap3A_28, %swap3A_29] : memref<4x16x256xf32, #tpu.memory_space<vmem>>, vector<1x16x256xf32>
    %swap3A_31 = vector.shape_cast %swap3A_30 : vector<1x16x256xf32> to vector<16x256xf32>
    %swap3A_32 = vector.shape_cast %slice3A_26 : vector<16x256xf32> to vector<1x16x256xf32>
    tpu.vector_store %arg5[%swap3A_27, %swap3A_28, %swap3A_29], %swap3A_32 {strides = array<i32>} : memref<4x16x256xf32, #tpu.memory_space<vmem>>, vector<1x16x256xf32>,
    %slice3A_33 = vector.extract_strided_slice %add3A_19 {offsets = [0, 512], sizes = [16, 256], strides = [1, 1]} : vector<16x1024xf32> to vector<16x256xf32>
    %swap3A_34 = arith.constant 2 : index
    %swap3A_35 = arith.constant 0 : index
    %swap3A_36 = arith.constant 0 : index
    %swap3A_37 = vector.load %arg5[%swap3A_34, %swap3A_35, %swap3A_36] : memref<4x16x256xf32, #tpu.memory_space<vmem>>, vector<1x16x256xf32>
    %swap3A_38 = vector.shape_cast %swap3A_37 : vector<1x16x256xf32> to vector<16x256xf32>
    %swap3A_39 = vector.shape_cast %slice3A_33 : vector<16x256xf32> to vector<1x16x256xf32>
    tpu.vector_store %arg5[%swap3A_34, %swap3A_35, %swap3A_36], %swap3A_39 {strides = array<i32>} : memref<4x16x256xf32, #tpu.memory_space<vmem>>, vector<1x16x256xf32>,
    %slice3A_40 = vector.extract_strided_slice %add3A_19 {offsets = [0, 768], sizes = [16, 256], strides = [1, 1]} : vector<16x1024xf32> to vector<16x256xf32>
    %swap3A_41 = arith.constant 3 : index
    %swap3A_42 = arith.constant 0 : index
    %swap3A_43 = arith.constant 0 : index
    %swap3A_44 = vector.load %arg5[%swap3A_41, %swap3A_42, %swap3A_43] : memref<4x16x256xf32, #tpu.memory_space<vmem>>, vector<1x16x256xf32>
    %swap3A_45 = vector.shape_cast %swap3A_44 : vector<1x16x256xf32> to vector<16x256xf32>
    %swap3A_46 = vector.shape_cast %slice3A_40 : vector<16x256xf32> to vector<1x16x256xf32>
    tpu.vector_store %arg5[%swap3A_41, %swap3A_42, %swap3A_43], %swap3A_46 {strides = array<i32>} : memref<4x16x256xf32, #tpu.memory_space<vmem>>, vector<1x16x256xf32>,
    return
  }
  func.func @transform_0(%arg0: i32) -> (i32, i32) {
    %c0_i32 = arith.constant 0 : i32
    %c0_i32_0 = arith.constant 0 : i32
    return %arg0, %c0_i32 : i32, i32
  }
  func.func @transform_1(%arg0: i32) -> (i32, i32) {
    %c0_i32 = arith.constant 0 : i32
    %c0_i32_0 = arith.constant 0 : i32
    %c0_i32_1 = arith.constant 0 : i32
    return %c0_i32, %c0_i32_0 : i32, i32
  }
  func.func @transform_2(%arg0: i32) -> (i32, i32) {
    %c0_i32 = arith.constant 0 : i32
    %c0_i32_0 = arith.constant 0 : i32
    %c0_i32_1 = arith.constant 0 : i32
    return %c0_i32, %c0_i32_0 : i32, i32
  }
  func.func @transform_3(%arg0: i32) -> (i32, i32) {
    %c0_i32 = arith.constant 0 : i32
    %c0_i32_0 = arith.constant 0 : i32
    return %c0_i32, %arg0 : i32, i32
  }
  func.func @transform_4(%arg0: i32) -> (i32, i32, i32) {
    %c0_i32 = arith.constant 0 : i32
    %c0_i32_0 = arith.constant 0 : i32
    %c0_i32_1 = arith.constant 0 : i32
    return %arg0, %c0_i32, %c0_i32_0 : i32, i32, i32
  }
}

</mosaic_0001>

<sc_bundles>
// kernel: kernel.4.cloned.1.call-start
scs
__scs_entry_jumppad:
0x0: {  	(pc) =	sbr.rel $0x88, $3  }
0x1: {  	(tag) =	ssettag $0x0;
	lr =	simm.s32 $0x1  }
0x2: {  	[smem:$0x3F9B] =	sst lr;
	_ =	strace $0xD0000000  }
0x3: {  	_ = 	snop  }
0x4: {  	_ = 	snop  }
0x5: {  	_ = 	snop  }
0x6: {  	_ = 	snop  }
0x7: {  	_ = 	snop  }
__scs_overlays_trampoline_lowered:
0x8: {  	[smem:$0x3FAA] =	sst s0  }
0x9: {  	[smem:$0x3FAB] =	sst s1  }
0xa: {  	[smem:$0x3FAC] =	sst s2  }
0xb: {  	[smem:$0x3FAD] =	sst s3  }
0xc: {  	[smem:$0x3FAE] =	sst s4  }
0xd: {  	[smem:$0x3FAF] =	sst s5  }
0xe: {  	[smem:$0x3FB0] =	sst s6  }
0xf: {  	[smem:$0x3FB1] =	sst s7  }
0x10: {  	[smem:$0x3FB2] =	sst s8  }
0x11: {  	[smem:$0x3FB3] =	sst s9;
	s0 =	simm.s32 @!p0 $0x0  }
0x12: {  	s1 =	sld [smem:$0x3F99];
	s0 =	simm.s32 @p0 $0x1  }
0x13: {  	[smem:$0x3FB4] =	sst s0;
	s0 =	simm.s32 @!p1 $0x0  }
0x14: {  	s2 =	sld [smem:$0x3F98];
	s0 =	simm.s32 @p1 $0x1  }
0x15: {  	[smem:$0x3FB5] =	sst s0;
	s0 =	simm.s32 @!p2 $0x0  }
0x16: {  	s3 =	sld [smem:$0x3FDB];
	s0 =	simm.s32 @p2 $0x1  }
0x17: {  	s4 =	simm.s32 $0x1BF5;
	[smem:$0x3FB7] =	sst s0  }
0x18: {  	s0 =	sld [smem:$0x3F9A];
	_ =	swait.ge [sflag:s4], $0x0  }
0x19: {  	s7 =	sld [smem:$0x3F9B]  }
0x1a: {  	s8 =	sadd.s32 $0xFFFFE003, lr  }
0x1b: {  	s9 =	sadd.s32 $0xFFFFFEF7, lr;
	s5 =	simm.s32 $0xFFFFFFFF;
	p2 =	slt.u32 s8, $0xFFFFF086  }
0x1c: {  	p1 =	slt.u32 s9, $0xF7A;
	s5 =	simm.s32 @!p2 $0x0  }
0x1d: {  	s5 =	simm.s32 @p1 $0x1;
	p0 =	seq.s32 s7, s2  }
0x1e: {  	s7 =	smul.u32 @!p0 $0xF7A, s2;
	p2 =	seq.s32 @!p0 s5, $0x0  }
0x1f: {  	s9 =	smul.u32 $0xF7A, s1;
	s8 =	simm.s32 @!p0 $0x1BF5;
	p2 =	por !p2, p0  }
0x20: {  	[sflag:s8] =	ssyncset.s32 @!p0 $0xFFFFF086;
	s6 =	sadd.s32 @!p0 s3, s7;
	s7 =	simm.s32 @!p0 $0x108  }
0x21: {  	s3 =	sadd.s32 s3, s9;
	s6 =	sadd.s32 @!p0 $0x88, s6;
	s7 =	simm.s32 @p2 $0x1082  }
0x22: {  	[simem:s7], [sflag:s8] =	dma.local @!p0 [hbm:s6], $0xF7A  }
0x23: {  	s9 =	sor.u32 $0xD0000000, s2;
	s6 =	simm.s32 $0x108;
	_ =	swait.ge @!p0 [sflag:s8], $0x0  }
0x24: {  	s3 =	sadd.s32 $0x88, s3;
	s6 =	simm.s32 @!p1 $0x1082;
	[sflag:s4] =	ssyncset.s32 $0xFFFFF086  }
0x25: {  	[simem:s6], [sflag:s4] =	dma.local [hbm:s3], $0xF7A  }
0x26: {  	[smem:$0x3F9B] =	sst s1;
	(tag) =	ssettag s2;
	_ =	strace s9  }
0x27: {  	s1 =	sld [smem:$0x3FAB]  }
0x28: {  	s2 =	sld [smem:$0x3FAC]  }
0x29: {  	s4 =	sld [smem:$0x3FAE]  }
0x2a: {  	p0 =	seq.s32 s5, $0x0;
	s5 =	sld [smem:$0x3FAF]  }
0x2b: {  	s6 =	sld [smem:$0x3FB0]  }
0x2c: {  	s7 =	sld [smem:$0x3FB1]  }
0x2d: {  	s3 =	simm.s32 $0x108;
	s8 =	sld [smem:$0x3FB2]  }
0x2e: {  	s3 =	simm.s32 @!p0 $0x1082;
	s9 =	sld [smem:$0x3FB3]  }
0x2f: {  	lr =	sadd.s32 s0, s3;
	s0 =	sld [smem:$0x3FAA]  }
0x30: {  	s3 =	sld [smem:$0x3FAD]  }
0x31: {  	[smem:$0x3FB6] =	sst s10  }
0x32: {  	s10 =	sld [smem:$0x3FB4];
	_ =	sdelay $0x3  }
0x33: {  	p0 =	seq.s32 s10, $0x1;
	s10 =	sld [smem:$0x3FB6];
	_ =	sdelay $0x3  }
0x34: {  	[smem:$0x3FB6] =	sst s10  }
0x35: {  	s10 =	sld [smem:$0x3FB5];
	_ =	sdelay $0x3  }
0x36: {  	p1 =	seq.s32 s10, $0x1;
	s10 =	sld [smem:$0x3FB6];
	_ =	sdelay $0x3  }
0x37: {  	[smem:$0x3FB6] =	sst s10  }
0x38: {  	s10 =	sld [smem:$0x3FB7]  }
0x39: {  	_ = 	snop;
	(pc) =	sbr.ind lr, $3  }
0x3a: {  	_ = 	snop  }
0x3b: {  	_ = 	snop  }
0x3c: {  	p2 =	seq.s32 s10, $0x1;
	s10 =	sld [smem:$0x3FB6]  }
0x3d: {  	_ =	shalt  }
0x3e: {  	_ =	shalt  }
0x3f: {  	_ =	shalt  }
0x40: {  	_ =	shalt  }
0x41: {  	_ =	shalt  }
0x42: {  	_ =	shalt  }
0x43: {  	_ =	shalt  }
0x44: {  	_ =	shalt  }
0x45: {  	_ =	shalt  }
0x46: {  	_ =	shalt  }
0x47: {  	_ =	shalt  }
0x48: {  	_ =	shalt  }
0x49: {  	_ =	shalt  }
0x4a: {  	_ =	shalt  }
0x4b: {  	_ =	shalt  }
0x4c: {  	_ =	shalt  }
0x4d: {  	_ =	shalt  }
0x4e: {  	_ =	shalt  }
0x4f: {  	_ =	shalt  }
0x50: {  	_ =	shalt  }
0x51: {  	_ =	shalt  }
0x52: {  	_ =	shalt  }
0x53: {  	_ =	shalt  }
0x54: {  	_ =	shalt  }
0x55: {  	_ =	shalt  }
0x56: {  	_ =	shalt  }
0x57: {  	_ =	shalt  }
0x58: {  	_ =	shalt  }
0x59: {  	_ =	shalt  }
0x5a: {  	_ =	shalt  }
0x5b: {  	_ =	shalt  }
0x5c: {  	_ =	shalt  }
0x5d: {  	_ =	shalt  }
0x5e: {  	_ =	shalt  }
0x5f: {  	_ =	shalt  }
0x60: {  	_ =	shalt  }
0x61: {  	_ =	shalt  }
0x62: {  	_ =	shalt  }
0x63: {  	_ =	shalt  }
0x64: {  	_ =	shalt  }
0x65: {  	_ =	shalt  }
0x66: {  	_ =	shalt  }
0x67: {  	_ =	shalt  }
0x68: {  	_ =	shalt  }
0x69: {  	_ =	shalt  }
0x6a: {  	_ =	shalt  }
0x6b: {  	_ =	shalt  }
0x6c: {  	_ =	shalt  }
0x6d: {  	_ =	shalt  }
0x6e: {  	_ =	shalt  }
0x6f: {  	_ =	shalt  }
0x70: {  	_ =	shalt  }
0x71: {  	_ =	shalt  }
0x72: {  	_ =	shalt  }
0x73: {  	_ =	shalt  }
0x74: {  	_ =	shalt  }
0x75: {  	_ =	shalt  }
0x76: {  	_ =	shalt  }
0x77: {  	_ =	shalt  }
0x78: {  	_ =	shalt  }
0x79: {  	_ =	shalt  }
0x7a: {  	_ =	shalt  }
0x7b: {  	_ =	shalt  }
0x7c: {  	_ =	shalt  }
0x7d: {  	_ =	shalt  }
0x7e: {  	_ =	shalt  }
0x7f: {  	_ =	shalt  }
0x80: {  	_ =	shalt  }
0x81: {  	_ =	shalt  }
0x82: {  	_ =	shalt  }
0x83: {  	_ =	shalt  }
0x84: {  	_ =	shalt  }
0x85: {  	_ =	shalt  }
0x86: {  	_ =	shalt  }
0x87: {  	_ =	shalt  }
.Lfunc_end0:
.L_simem_size_0:
called_computation_lowered:
.L_overlay_start_0:
0x88: {  	s2 =	sld [smem:$0x3FD9]  }
0x89: {  	s3 =	sld [smem:$0x3FFE];
	_ =	sdelay $0x1  }
0x8a: {  	s1 =	srdreg.scid  }
0x8b: {  	s0 =	sand.u32 $0x1, s1  }
0x8c: {  	s14 =	sshll.u32 s0, $0xA;
	s2 =	sadd.s32 s3, s2  }
0x8d: {  	s2 =	sadd.s32 s2, s14  }
0x8e: {  	[smem:$0x3FC2] =	sst s2  }
0x8f: {  	_ = 	snop  }
0x90: {  	s2 =	sld [smem:$0x3FD0];
	_ =	sdelay $0x2  }
0x91: {  	s15 =	simm.s32 $0xA;
	s4 =	simm.s32 $0x10  }
0x92: {  	[smem:s4], [sflag:s15] =	dma.local [hbm:s2], $0x1  }
0x93: {  	_ =	swait.eq [sflag:s15], $0x1  }
0x94: {  	[sflag:s15] =	ssyncset.done $0x0  }
0x95: {  	s16 =	sld [smem:$0x10];
	[sflag:s15] =	ssyncadd.s32 $0xFFFFFFFF  }
0x96: {  	s17 =	sld [smem:$0x11];
	(tm) =	ssettm $0x1  }
0x97: {  	s18 =	sld [smem:$0x3FFB];
	_ =	sdelay $0x3  }
0x98: {  	_ =	strace s18  }
0x99: {  	s4 =	sld [smem:$0x3FFC];
	_ =	sdelay $0x3  }
0x9a: {  	_ =	strace s4  }
0x9b: {  	s4 =	sld [smem:$0x3FFD];
	_ =	sdelay $0x3  }
0x9c: {  	_ =	strace s4  }
0x9d: {  	_ =	strace $0x8FFFFFFF  }
0x9e: {  	s19 =	sld [smem:$0x3FDB];
	_ =	sdelay $0x1  }
0x9f: {  	s5 =	simm.s32 $_scs_section_size  }
0xa0: {  	s6 =	simm.s32 $_size__tile_overlayer_lowered;
	s7 =	simm.s32 $_tile_overlayer_lowered  }
0xa1: {  	s22 =	simm.s32 $0x1BFF;
	s21 =	sshll.u32 s7, $0x1;
	s4 =	sadd.s32 s5, s19  }
0xa2: {  	s8 =	simm.s32 $0x0;
	s20 =	sshll.u32 s6, $0x1;
	s6 =	sadd.s32 s21, s4  }
0xa3: {  	[timem:s8], [sflag:s22] =	dma.local [hbm:s6], s20  }
0xa4: {  	_ =	swait.ge [sflag:s22], s20  }
0xa5: {  	s5 =	ssub.s32 $0x0, s20;
	[sflag:s22] =	ssyncset.done $0x0  }
0xa6: {  	[sflag:s22] =	ssyncadd.s32 s5;
	_ =	sdelay $0x1  }
0xa7: {  	s23 =	simm.s32 $0x1B8B  }
0xa8: {  	_ =	swait.ge [sflag:s23], $0x1  }
0xa9: {  	[sflag:s23] =	ssyncset.done $0x0  }
0xaa: {  	s25 =	simm.s32 $0x1B8E;
	s24 =	sld [smem:$0x3FFE];
	[sflag:s23] =	ssyncadd.s32 $0xFFFFFFFF  }
0xab: {  	s26 =	simm.s32 $execute0_lowered;
	[smem:$0x3FD2] =	sst s25  }
0xac: {  	s6 =	sshll.u32 s26, $0x1;
	_ =	strace $0x80000046;
	[dreg:$0x1] =	wrdreg $0xFFFFFFFF  }
0xad: {  	s28 =	simm.s32 $_size_execute0_lowered;
	s4 =	sadd.s32 s4, s6;
	[dreg:$0x0] =	wrdreg $0x0  }
0xae: {  	s6 =	sshll.u32 s28, $0x1;
	[dreg:$0x2] =	wrdreg s4  }
0xaf: {  	[dreg:$0x3] =	wrdreg s6  }
0xb0: {  	[dreg:$0x4] =	wrdreg $0xC0  }
0xb1: {  	_ =	task [dreg:s8], $0x5FFFF  }
0xb2: {  	[dreg:$0x1] =	wrdreg $0xFFFFFFFF  }
0xb3: {  	[dreg:$0x0] =	wrdreg $0x60  }
0xb4: {  	[dreg:$0x2] =	wrdreg s16  }
0xb5: {  	[dreg:$0x3] =	wrdreg s24  }
0xb6: {  	[dreg:$0x4] =	wrdreg s17  }
0xb7: {  	[dreg:$0x5] =	wrdreg $0x9  }
0xb8: {  	_ =	task.clear_ibuf [dreg:s8], $0x6FFFF;
	_ =	strace $0x90000046  }
0xb9: {  	s29 =	simm.s32 $0x9;
	_ =	strace $0x80000048  }
0xba: {  	_ =	swait.ge [sflag:s29], $0x1  }
0xbb: {  	[sflag:s29] =	ssyncadd.s32 $0xFFFFFFFF  }
0xbc: {  	_ =	strace $0x90000048  }
0xbd: {  	_ =	sfence  }
0xbe: {  	s30 =	sld [smem:$0x0];
	_ =	sdelay $0x2  }
0xbf: {  	s31 =	sshll.u32 s1, $0xD;
	s1 =	sshrl.u32 s1, $0x2  }
0xc0: {  	s3 =	sand.u32 $0x4000, s31;
	s1 =	sadd.s32 s1, s30  }
0xc1: {  	s0 =	sor.u32 s3, s0;
	s1 =	sshll.u32 s1, $0x11  }
0xc2: {  	s0 =	sor.u32 s1, s0  }
0xc3: {  	s0 =	sadd.s32 $0x8F2B, s0  }
0xc4: {  	[sflag:s0] =	ssyncadd.remote.s32 $0x1  }
0xc5: {  	_ =	sfence.sel $0xFFFF  }
0xc6: {  	[dreg:$0x0] =	wrdreg $0xFFFFFFFF;
	(pc) =	sbr.abs _section_cstart, $3  }
0xc7: {  	[dreg:$0x1] =	wrdreg $0xFFFFFFFF  }
0xc8: {  	_ =	task.clear_ibuf [dreg:s8], $0x2FFFF;
	_ =	strace $0x9FFFFFFF  }
0xc9: {  	(tm) =	ssettm $0x7FFFFFFF  }
tec
execute0_lowered:
.L_overlay_start_1:
0x0: {  	(tag) =	ssettag $0x1  }
0x1: {  	s3 =	rddreg [dreg:$0x0]  }
0x2: {  	s4 =	rddreg [dreg:$0x1]  }
0x3: {  	s6 =	rddreg [dreg:$0x2]  }
0x4: {  	s2 =	srdreg.scid;
	s1 =	stileid.u32  }
0x5: {  	s0 =	rddreg [dreg:$0x3];
	s11 =	simm.s32 $0x1800;
	s12 =	simm.s32 $0x1  }
0x6: {  	s13 =	simm.s32 $0x0;
	s5 =	sand.u32 $0x1, s2;
	s7 =	sshll.u32 s1, $0x1  }
0x7: {  	s2 =	simm.s32 $0x0;
	s7 =	sor.u32 s5, s7;
	s5 =	ssub.s32 $0x2, s5  }
0x8: {  	[smem:$0x7FF] =	sst s2;
	s8 =	sshll.u32 s7, $0x9;
	s9 =	sshrl.u32 s5, $0x1  }
0x9: {  	_ =	strace $0x80000047;
	s7 =	sshll.u32 s7, $0x6;
	s10 =	sadd.s32 s8, s4  }
0xa: {  	s9 =	ssub.s32 s5, s9;
	s3 =	sadd.s32 s3, s8;
	s6 =	sadd.s32 s6, s7  }
0xb: {  	s8 =	simm.s32 $0x2;
	s4 =	sadd.s32 $0xC00, s10;
	s5 =	sadd.s32 $0xD00, s10  }
0xc: {  	v0 =	vlaneseq.u32;
	v1 =	vimm.s32 $0x0;
	v2 =	vimm.f32 $0.0e+00;
	s7 =	smax.u32 s9, $0x1;
	s9 =	simm.s32 $0x1000;
	s10 =	simm.s32 $0x2000  }
.LBB2_1:
0xd: {  	[tilespmem:s2], [sflag:$0x2] =	stream.linear.gather [hbm4b:s3+s2], $0x1000, $0x38;
	[tilespmem:$0x2200] =	vst v63  }
0xe: {  	_ =	swait.ge [sflag:s8], $0x1000  }
0xf: {  	[sflag:s8] =	ssyncset.done $0x0  }
0x10: {  	s14 =	simm.s32 $0x800;
	[sflag:s8] =	ssyncadd.s32 $0xFFFFF000  }
0x11: {  	v3 =	vld [tilespmem:s14+$0xFFFFF800]  }
0x12: {  	v4 =	vld [tilespmem:s14+$0xFFFFF900];
	_ =	sdelay $0x3  }
0x13: {  	v5 =	vld [tilespmem:s14+$0xFFFFFA00];
	vm0 =	vgt.f32 v3, $-Inf  }
0x14: {  	vm10 =	vlt.f32 v4, $-Inf;
	vm1 =	vgt.f32 v4, $-Inf;
	v3 =	vnsel vm0, $0xFF800000, v3  }
0x15: {  	vm10 =	vmor vm1, vm10;
	vm13 =	vgt.f32 v4, v3  }
0x16: {  	v6 =	vnsel vm10, $0xFF800000, v4;
	vm14 =	vmneg vm13  }
0x17: {  	v7 =	vld [tilespmem:s14+$0xFFFFFB00];
	v6 =	vsel vm14, v6, v3  }
0x18: {  	v3 =	vsel vm14, v3, v4;
	v4 =	vimm.s32 $0x0;
	vm11 =	vgt.f32 v5, v6  }
0x19: {  	v4 =	vsel vm11, $0xFFFFFFFF, v4  }
0x1a: {  	vm5 =	vgt.f32 v5, v3;
	[tilespmem:$0x1FF50] =	vst v4;
	v4 =	vsel vm11, v5, v6;
	v6 =	vld [tilespmem:s14+$0xFFFFFC00]  }
0x1b: {  	v4 =	vsel vm5, v3, v4  }
0x1c: {  	v3 =	vsel vm5, v5, v3;
	v5 =	vimm.s32 $0x0;
	vm12 =	vgt.f32 v7, v4  }
0x1d: {  	vm6 =	vgt.f32 v7, v3;
	v5 =	vsel vm12, $0xFFFFFFFF, v5;
	v4 =	vsel vm12, v7, v4  }
0x1e: {  	[tilespmem:$0x1FF60] =	vst v5;
	v5 =	vld [tilespmem:s14+$0xFFFFFD00];
	v4 =	vsel vm6, v3, v4  }
0x1f: {  	v3 =	vsel vm6, v7, v3;
	v7 =	vimm.s32 $0x0;
	vm15 =	vgt.f32 v6, v4  }
0x20: {  	v7 =	vsel vm15, $0xFFFFFFFF, v7  }
0x21: {  	vm9 =	vgt.f32 v6, v3;
	v4 =	vsel vm15, v6, v4;
	[tilespmem:$0x1FF70] =	vst v7;
	v7 =	vld [tilespmem:s14+$0xFFFFFE00]  }
0x22: {  	v4 =	vsel vm9, v3, v4  }
0x23: {  	v3 =	vsel vm9, v6, v3;
	v6 =	vimm.s32 $0x0;
	vm4 =	vgt.f32 v5, v4  }
0x24: {  	vm8 =	vgt.f32 v5, v3;
	v6 =	vsel vm4, $0xFFFFFFFF, v6;
	v4 =	vsel vm4, v5, v4  }
0x25: {  	[tilespmem:$0x1FF80] =	vst v6;
	v6 =	vld [tilespmem:s14+$0xFFFFFF00];
	v4 =	vsel vm8, v3, v4  }
0x26: {  	v3 =	vsel vm8, v5, v3;
	v5 =	vimm.s32 $0x0;
	vm12 =	vgt.f32 v7, v4  }
0x27: {  	v5 =	vsel vm12, $0xFFFFFFFF, v5  }
0x28: {  	vm7 =	vgt.f32 v7, v3;
	v4 =	vsel vm12, v7, v4;
	[tilespmem:$0x1FF90] =	vst v5;
	v5 =	vld [tilespmem:s14+$0x0]  }
0x29: {  	v4 =	vsel vm7, v3, v4  }
0x2a: {  	v3 =	vsel vm7, v7, v3;
	v7 =	vimm.s32 $0x0;
	vm15 =	vgt.f32 v6, v4  }
0x2b: {  	vm11 =	vgt.f32 v6, v3;
	v7 =	vsel vm15, $0xFFFFFFFF, v7;
	v4 =	vsel vm15, v6, v4  }
0x2c: {  	[tilespmem:$0x1FFA0] =	vst v7;
	v7 =	vld [tilespmem:s14+$0x100];
	v4 =	vsel vm11, v3, v4  }
0x2d: {  	v3 =	vsel vm11, v6, v3;
	v6 =	vimm.s32 $0x0;
	vm4 =	vgt.f32 v5, v4  }
0x2e: {  	v6 =	vsel vm4, $0xFFFFFFFF, v6  }
0x2f: {  	v4 =	vsel vm4, v5, v4;
	vm4 =	vgt.f32 v5, v3;
	[tilespmem:$0x1FFB0] =	vst v6;
	v6 =	vld [tilespmem:s14+$0x200]  }
0x30: {  	v4 =	vsel vm4, v3, v4  }
0x31: {  	v3 =	vsel vm4, v5, v3;
	v5 =	vimm.s32 $0x0;
	vm12 =	vgt.f32 v7, v4  }
0x32: {  	vm2 =	vgt.f32 v7, v3;
	v5 =	vsel vm12, $0xFFFFFFFF, v5;
	v4 =	vsel vm12, v7, v4  }
0x33: {  	[tilespmem:$0x1FFC0] =	vst v5;
	v5 =	vld [tilespmem:s14+$0x300];
	v4 =	vsel vm2, v3, v4  }
0x34: {  	v3 =	vsel vm2, v7, v3;
	v7 =	vimm.s32 $0x0;
	vm15 =	vgt.f32 v6, v4  }
0x35: {  	v7 =	vsel vm15, $0xFFFFFFFF, v7  }
0x36: {  	vm0 =	vgt.f32 v6, v3;
	v4 =	vsel vm15, v6, v4;
	[tilespmem:$0x1FFD0] =	vst v7;
	v7 =	vld [tilespmem:s14+$0x400]  }
0x37: {  	v4 =	vsel vm0, v3, v4  }
0x38: {  	v3 =	vsel vm0, v6, v3;
	vm15 =	vgt.f32 v5, v4  }
0x39: {  	v6 =	vld [tilespmem:s14+$0x500];
	vm3 =	vgt.f32 v5, v3;
	v4 =	vsel vm15, v5, v4  }
0x3a: {  	v4 =	vsel vm3, v3, v4  }
0x3b: {  	v10 =	vld [tilespmem:$0x1FF50];
	v3 =	vsel vm3, v5, v3;
	v5 =	vimm.s32 $0x0;
	vm12 =	vgt.f32 v7, v4  }
0x3c: {  	v60 =	vld [tilespmem:$0x1FF60];
	vm1 =	vgt.f32 v7, v3;
	v5 =	vsel vm12, $0xFFFFFFFF, v5;
	v4 =	vsel vm12, v7, v4  }
0x3d: {  	v9 =	vsel vm13, $0x1, v1;
	vm10 =	vmand vm10, vm14;
	[tilespmem:$0x1FFE0] =	vst v5;
	v5 =	vld [tilespmem:s14+$0x600];
	v4 =	vsel vm1, v3, v4  }
0x3e: {  	v3 =	vsel vm1, v7, v3;
	v7 =	vimm.s32 $0x0;
	vm12 =	vgt.f32 v6, v4  }
0x3f: {  	v8 =	vsel vm10, $0x1, v1;
	v59 =	vsel vm5, $0x2, v9;
	v7 =	vsel vm12, $0xFFFFFFFF, v7  }
0x40: {  	vm14 =	vnez.u8 v10;
	v4 =	vsel vm12, v6, v4;
	vm12 =	vgt.f32 v6, v3;
	[tilespmem:$0x1FFF0] =	vst v7;
	v7 =	vld [tilespmem:s14+$0x700]  }
0x41: {  	v8 =	vsel vm14, $0x2, v8;
	v61 =	vld [tilespmem:$0x1FF70];
	vm10 =	vnez.u8 v60;
	v4 =	vsel vm12, v3, v4  }
0x42: {  	v3 =	vsel vm12, v6, v3;
	v6 =	vsel vm5, v9, v8;
	vm13 =	vgt.f32 v5, v4  }
0x43: {  	v6 =	vsel vm10, $0x3, v6;
	vm14 =	vgt.f32 v5, v3;
	v4 =	vsel vm13, v5, v4  }
0x44: {  	v6 =	vsel vm6, v59, v6;
	v4 =	vsel vm14, v3, v4  }
0x45: {  	v3 =	vsel vm14, v5, v3;
	v5 =	vsel vm6, $0x3, v59;
	vm10 =	vgt.f32 v7, v4  }
0x46: {  	vm6 =	vnez.u8 v61;
	vm5 =	vgt.f32 v7, v3;
	v4 =	vsel vm10, v7, v4  }
0x47: {  	v6 =	vsel vm6, $0x4, v6;
	v4 =	vsel vm5, v3, v4;
	v3 =	vsel vm5, v7, v3  }
0x48: {  	v3 =	vsub.f32 v4, v3;
	v4 =	vsel vm9, v5, v6;
	v6 =	vld [tilespmem:$0x1FF80];
	_ =	sdelay $0x4  }
0x49: {  	v5 =	vsel vm9, $0x4, v5;
	vm9 =	vnez.u8 v6;
	v6 =	vld [tilespmem:$0x1FF90];
	_ =	sdelay $0x3  }
0x4a: {  	v4 =	vsel vm9, $0x5, v4  }
0x4b: {  	v3 =	vmul.f32 $1.442695020e+00, v3;
	v4 =	vsel vm8, v5, v4;
	vm9 =	vnez.u8 v6  }
0x4c: {  	v5 =	vsel vm8, $0x5, v5;
	v4 =	vsel vm9, $0x6, v4  }
0x4d: {  	(erf) = vpow2.f32 v3;
	v3 =	vsel vm7, v5, v4;
	v4 =	vsel vm7, $0x6, v5;
	v5 =	vld [tilespmem:$0x1FFA0];
	_ =	sdelay $0x4  }
0x4e: {  	vm9 =	vnez.u8 v5;
	v5 =	vld [tilespmem:$0x1FFB0];
	_ =	sdelay $0x3  }
0x4f: {  	v3 =	vsel vm9, $0x7, v3  }
0x50: {  	v3 =	vsel vm11, v4, v3;
	v4 =	vsel vm11, $0x7, v4;
	vm11 =	vnez.u8 v5;
	v5 =	vld [tilespmem:$0x1FFC0];
	_ =	sdelay $0x4  }
0x51: {  	vm8 =	vnez.u8 v5;
	v5 =	vld [tilespmem:$0x1FFD0];
	_ =	sdelay $0x3  }
0x52: {  	v3 =	vsel vm11, $0x8, v3  }
0x53: {  	v3 =	vsel vm4, v4, v3;
	vm9 =	vnez.u8 v5;
	v5 =	vpop (erf)  }
0x54: {  	v7 =	vld [tilespmem:$0x1FFE0];
	v4 =	vsel vm4, $0x8, v4;
	v3 =	vsel vm8, $0x9, v3;
	v6 =	vadd.f32 $1.000000000e+00, v5  }
0x55: {  	s15 =	simm.s32 $0x1080;
	v3 =	vsel vm2, v4, v3  }
0x56: {  	[tilespmem:s15+$0xFFFFFF80] =	vst v2;
	v4 =	vsel vm2, $0x9, v4;
	v3 =	vsel vm9, $0xA, v3;
	(erf) = vrcp.f32 v6;
	v6 =	vld [tilespmem:$0x1FFF0]  }
0x57: {  	[tilespmem:s15+$0xFFFFFF90] =	vst v2;
	v3 =	vsel vm0, v4, v3  }
0x58: {  	[tilespmem:s15+$0xFFFFFFA0] =	vst v2;
	v4 =	vsel vm0, $0xA, v4;
	v3 =	vsel vm15, $0xB, v3  }
0x59: {  	[tilespmem:s15+$0xFFFFFFB0] =	vst v2;
	vm11 =	vnez.u8 v7;
	v3 =	vsel vm3, v4, v3  }
0x5a: {  	[tilespmem:s15+$0xFFFFFFC0] =	vst v2;
	v4 =	vsel vm3, $0xB, v4;
	v3 =	vsel vm11, $0xC, v3  }
0x5b: {  	[tilespmem:s15+$0xFFFFFFD0] =	vst v2;
	v3 =	vsel vm1, v4, v3;
	vm15 =	vnez.u8 v6  }
0x5c: {  	[tilespmem:s15+$0xFFFFFFE0] =	vst v2;
	v4 =	vsel vm1, $0xC, v4;
	v3 =	vsel vm15, $0xD, v3  }
0x5d: {  	[tilespmem:s15+$0xFFFFFFF0] =	vst v2;
	v3 =	vsel vm12, v4, v3  }
0x5e: {  	[tilespmem:s15+$0x0] =	vst v2;
	v4 =	vsel vm12, $0xD, v4;
	v3 =	vsel vm13, $0xE, v3  }
0x5f: {  	[tilespmem:s15+$0x10] =	vst v2;
	v6 =	vsel vm14, $0xE, v4;
	v3 =	vsel vm14, v4, v3;
	v4 =	vor.u32 s2, v0  }
0x60: {  	[tilespmem:s15+$0x20] =	vst v2;
	v7 =	vsel vm5, $0xF, v6;
	v3 =	vsel vm10, $0xF, v3;
	v62 =	vshll.u32 v4, $0x4  }
0x61: {  	[tilespmem:s15+$0x30] =	vst v2;
	v3 =	vsel vm5, v6, v3;
	v6 =	vadd.s32 v62, v7  }
0x62: {  	[tilespmem:s15+$0x40] =	vst v2  }
0x63: {  	[tilespmem:s15+$0x50] =	vst v2  }
0x64: {  	[tilespmem:s15+$0x60] =	vst v2;
	v8 =	vadd.s32 v62, v3  }
0x65: {  	[tilespmem:s15+$0x70] =	vst v2;
	v63 =	vshll.u32 v4, $0x1;
	v4 =	vpop (erf)  }
0x66: {  	v5 =	vmul.f32 v4, v5;
	[tilespmem:v6+s9+$0x0] =	vst.idx.msk $0xffff, v4;
	v4 =	vor.u32 $0x1, v63;
	_ =	sdelay $0x2  }
0x67: {  	[tilespmem:v8+s9+$0x0] =	vst.idx.msk $0xffff, v5  }
0x68: {  	s16 =	simm.s32 $0x10;
	[tilespmem:v63+s10+$0x0] =	vst.idx.msk $0xffff, v7  }
.LBB2_2:
0x69: {  	p0 =	sne.s32 s16, $0x70;
	[tilespmem:v4+s10+$0x0] =	vst.idx.msk $0xffff, v3;
	s14 =	sadd.s32 $0x10, s14;
	s15 =	sadd.s32 $0x100, s15  }
0x6a: {  	s17 =	smov.u32 s16;
	s16 =	sadd.s32 $0x10, s16;
	v3 =	vld [tilespmem:s14+$0xFFFFF800]  }
0x6b: {  	v4 =	vld [tilespmem:s14+$0xFFFFF900];
	_ =	sdelay $0x3  }
0x6c: {  	vm0 =	vgt.f32 v3, $-Inf;
	v5 =	vld [tilespmem:s14+$0xFFFFFA00]  }
0x6d: {  	v3 =	vnsel vm0, $0xFF800000, v3;
	vm0 =	vlt.f32 v4, $-Inf;
	vm1 =	vgt.f32 v4, $-Inf  }
0x6e: {  	vm2 =	vgt.f32 v4, v3;
	vm0 =	vmor vm1, vm0  }
0x6f: {  	vm1 =	vmneg vm2;
	v6 =	vnsel vm0, $0xFF800000, v4;
	v7 =	vld [tilespmem:s14+$0xFFFFFB00]  }
0x70: {  	v6 =	vsel vm1, v6, v3;
	vm0 =	vmand vm0, vm1;
	v3 =	vsel vm1, v3, v4  }
0x71: {  	v8 =	vsel vm2, $0x1, v1;
	v4 =	vsel vm0, $0x1, v1;
	vm0 =	vgt.f32 v5, v6  }
0x72: {  	vm1 =	vgt.f32 v5, v3;
	v6 =	vsel vm0, v5, v6;
	v4 =	vsel vm0, $0x2, v4;
	v9 =	vld [tilespmem:s14+$0xFFFFFC00]  }
0x73: {  	v6 =	vsel vm1, v3, v6;
	v4 =	vsel vm1, v8, v4;
	v3 =	vsel vm1, v5, v3  }
0x74: {  	vm0 =	vgt.f32 v7, v6  }
0x75: {  	v5 =	vsel vm1, $0x2, v8;
	vm1 =	vgt.f32 v7, v3;
	v6 =	vsel vm0, v7, v6;
	v8 =	vld [tilespmem:s14+$0xFFFFFD00]  }
0x76: {  	v4 =	vsel vm0, $0x3, v4;
	v6 =	vsel vm1, v3, v6;
	v3 =	vsel vm1, v7, v3  }
0x77: {  	v4 =	vsel vm1, v5, v4;
	v5 =	vsel vm1, $0x3, v5;
	vm0 =	vgt.f32 v9, v6  }
0x78: {  	vm1 =	vgt.f32 v9, v3;
	v6 =	vsel vm0, v9, v6;
	v4 =	vsel vm0, $0x4, v4;
	v7 =	vld [tilespmem:s14+$0xFFFFFE00]  }
0x79: {  	v6 =	vsel vm1, v3, v6;
	v4 =	vsel vm1, v5, v4;
	v3 =	vsel vm1, v9, v3  }
0x7a: {  	v5 =	vsel vm1, $0x4, v5;
	vm0 =	vgt.f32 v8, v6  }
0x7b: {  	vm1 =	vgt.f32 v8, v3;
	v6 =	vsel vm0, v8, v6;
	v4 =	vsel vm0, $0x5, v4;
	v9 =	vld [tilespmem:s14+$0xFFFFFF00]  }
0x7c: {  	v6 =	vsel vm1, v3, v6;
	v4 =	vsel vm1, v5, v4;
	v3 =	vsel vm1, v8, v3  }
0x7d: {  	vm0 =	vgt.f32 v7, v6  }
0x7e: {  	vm2 =	vgt.f32 v7, v3;
	v6 =	vsel vm0, v7, v6;
	v4 =	vsel vm0, $0x6, v4;
	v8 =	vld [tilespmem:s14+$0x0]  }
0x7f: {  	v5 =	vsel vm1, $0x5, v5;
	v6 =	vsel vm2, v3, v6;
	v3 =	vsel vm2, v7, v3  }
0x80: {  	v4 =	vsel vm2, v5, v4;
	v5 =	vsel vm2, $0x6, v5;
	vm0 =	vgt.f32 v9, v6  }
0x81: {  	vm1 =	vgt.f32 v9, v3;
	v6 =	vsel vm0, v9, v6;
	v4 =	vsel vm0, $0x7, v4;
	v7 =	vld [tilespmem:s14+$0x100]  }
0x82: {  	v6 =	vsel vm1, v3, v6;
	v4 =	vsel vm1, v5, v4  }
0x83: {  	v3 =	vsel vm1, v9, v3;
	v5 =	vsel vm1, $0x7, v5;
	vm0 =	vgt.f32 v8, v6  }
0x84: {  	vm1 =	vgt.f32 v8, v3;
	v6 =	vsel vm0, v8, v6;
	v4 =	vsel vm0, $0x8, v4;
	v9 =	vld [tilespmem:s14+$0x200]  }
0x85: {  	v6 =	vsel vm1, v3, v6;
	v4 =	vsel vm1, v5, v4;
	v3 =	vsel vm1, v8, v3  }
0x86: {  	v5 =	vsel vm1, $0x8, v5;
	vm0 =	vgt.f32 v7, v6  }
0x87: {  	vm1 =	vgt.f32 v7, v3;
	v6 =	vsel vm0, v7, v6;
	v4 =	vsel vm0, $0x9, v4;
	v8 =	vld [tilespmem:s14+$0x300]  }
0x88: {  	v6 =	vsel vm1, v3, v6;
	v4 =	vsel vm1, v5, v4;
	v5 =	vsel vm1, $0x9, v5  }
0x89: {  	v3 =	vsel vm1, v7, v3;
	vm0 =	vgt.f32 v9, v6  }
0x8a: {  	vm1 =	vgt.f32 v9, v3;
	v6 =	vsel vm0, v9, v6;
	v4 =	vsel vm0, $0xA, v4;
	v7 =	vld [tilespmem:s14+$0x400]  }
0x8b: {  	v6 =	vsel vm1, v3, v6;
	v4 =	vsel vm1, v5, v4;
	v10 =	vld [tilespmem:s14+$0x700]  }
0x8c: {  	v3 =	vsel vm1, v9, v3;
	v5 =	vsel vm1, $0xA, v5;
	vm0 =	vgt.f32 v8, v6;
	v9 =	vld [tilespmem:s14+$0x600]  }
0x8d: {  	vm1 =	vgt.f32 v8, v3;
	v6 =	vsel vm0, v8, v6;
	v4 =	vsel vm0, $0xB, v4;
	v11 =	vld [tilespmem:s14+$0x500]  }
0x8e: {  	v6 =	vsel vm1, v3, v6;
	v4 =	vsel vm1, v5, v4;
	v3 =	vsel vm1, v8, v3;
	[tilespmem:s15+$0xFFFFFF80] =	vst v2  }
0x8f: {  	vm0 =	vgt.f32 v7, v6;
	[tilespmem:s15+$0xFFFFFF90] =	vst v2  }
0x90: {  	vm2 =	vgt.f32 v7, v3;
	v6 =	vsel vm0, v7, v6;
	[tilespmem:s15+$0xFFFFFFA0] =	vst v2  }
0x91: {  	v4 =	vsel vm0, $0xC, v4;
	v6 =	vsel vm2, v3, v6;
	[tilespmem:s15+$0xFFFFFFB0] =	vst v2  }
0x92: {  	v5 =	vsel vm1, $0xB, v5;
	v3 =	vsel vm2, v7, v3;
	vm0 =	vgt.f32 v11, v6;
	[tilespmem:s15+$0xFFFFFFC0] =	vst v2  }
0x93: {  	v4 =	vsel vm2, v5, v4;
	vm1 =	vgt.f32 v11, v3;
	v6 =	vsel vm0, v11, v6;
	[tilespmem:s15+$0xFFFFFFD0] =	vst v2  }
0x94: {  	v5 =	vsel vm2, $0xC, v5;
	v4 =	vsel vm0, $0xD, v4;
	v6 =	vsel vm1, v3, v6;
	[tilespmem:s15+$0xFFFFFFE0] =	vst v2  }
0x95: {  	v4 =	vsel vm1, v5, v4;
	v3 =	vsel vm1, v11, v3;
	vm0 =	vgt.f32 v9, v6;
	[tilespmem:s15+$0xFFFFFFF0] =	vst v2  }
0x96: {  	vm2 =	vgt.f32 v9, v3;
	v6 =	vsel vm0, v9, v6;
	v4 =	vsel vm0, $0xE, v4;
	[tilespmem:s15+$0x0] =	vst v2  }
0x97: {  	v5 =	vsel vm1, $0xD, v5;
	v6 =	vsel vm2, v3, v6;
	[tilespmem:s15+$0x10] =	vst v2  }
0x98: {  	v7 =	vsel vm2, $0xE, v5;
	v3 =	vsel vm2, v9, v3;
	vm1 =	vgt.f32 v10, v6;
	[tilespmem:s15+$0x20] =	vst v2  }
0x99: {  	v4 =	vsel vm2, v5, v4;
	vm0 =	vgt.f32 v10, v3;
	v5 =	vsel vm1, v10, v6;
	[tilespmem:s15+$0x30] =	vst v2  }
0x9a: {  	v4 =	vsel vm1, $0xF, v4;
	v6 =	vsel vm0, v10, v3;
	v5 =	vsel vm0, v3, v5;
	[tilespmem:s15+$0x40] =	vst v2  }
0x9b: {  	v3 =	vsel vm0, v7, v4;
	v4 =	vsub.f32 v5, v6;
	[tilespmem:s15+$0x50] =	vst v2  }
0x9c: {  	[tilespmem:s15+$0x60] =	vst v2  }
0x9d: {  	v4 =	vmul.f32 $1.442695020e+00, v4;
	[tilespmem:s15+$0x70] =	vst v2;
	_ =	sdelay $0x1  }
0x9e: {  	(erf) = vpow2.f32 v4;
	_ =	sdelay $0x8  }
0x9f: {  	v5 =	vpop (erf)  }
0xa0: {  	v4 =	vadd.f32 $1.000000000e+00, v5;
	_ =	sdelay $0x1  }
0xa1: {  	(erf) = vrcp.f32 v4;
	_ =	sdelay $0x2  }
0xa2: {  	v4 =	vor.u32 s17, v0  }
0xa3: {  	v6 =	vsel vm0, $0xF, v7;
	v7 =	vshll.u32 v4, $0x4  }
0xa4: {  	v8 =	vadd.s32 v7, v6;
	_ =	sdelay $0x1  }
0xa5: {  	v7 =	vadd.s32 v7, v3  }
0xa6: {  	v9 =	vshll.u32 v4, $0x1  }
.Ltmp0:
0xa7: {  	v4 =	vor.u32 $0x1, v9;
	v10 =	vpop (erf);
	(pc) =	sbr.rel @p0 .LBB2_2-.Ltmp0, $3  }
0xa8: {  	v5 =	vmul.f32 v10, v5;
	[tilespmem:v8+s9+$0x0] =	vst.idx.msk $0xffff, v10;
	_ =	sdelay $0x1  }
0xa9: {  	[tilespmem:v7+s9+$0x0] =	vst.idx.msk $0xffff, v5  }
0xaa: {  	[tilespmem:v9+s10+$0x0] =	vst.idx.msk $0xffff, v6  }
0xab: {  	_ =	sdelay $0x3  }
0xac: {  	[tilespmem:v4+s10+$0x0] =	vst.idx.msk $0xffff, v3;
	s14 =	simm.s32 $0x0;
	s30 =	simm.s32 $0x80;
	s16 =	simm.s32 $0x0  }
0xad: {  	[hbm4b:s4+s14] =	stream.linear.scatter [tilespmem:s9], [sflag:$0x1], $0x800, $0x38;
	[tilespmem:$0x2200] =	vst v63  }
0xae: {  	s15 =	sand.u32 $0x3FFFFF80, s30;
	v3 =	vld [tilespmem:s16+$0x80]  }
0xaf: {  	s15 =	sadd.s32 $0x0, s15  }
0xb0: {  	v4 =	vld [tilespmem:s15+$0x100];
	_ =	sdelay $0x2  }
0xb1: {  	vm0 =	vgt.f32 v3, $-Inf  }
0xb2: {  	v3 =	vnsel vm0, $0xFF800000, v3  }
0xb3: {  	v6 =	vimm.s32 $0x0;
	vm2 =	vgt.f32 v4, v3  }
0xb4: {  	v5 =	vld [tilespmem:s15+$0x200];
	vm12 =	vlt.f32 v4, $-Inf;
	vm1 =	vgt.f32 v4, $-Inf;
	v6 =	vsel vm2, $0xFFFFFFFF, v6  }
0xb5: {  	vm0 =	vmor vm1, vm12;
	[tilespmem:$0x1FEA0] =	vst v6;
	v6 =	vimm.s32 $0x0  }
0xb6: {  	v6 =	vsel vm0, $0xFFFFFFFF, v6  }
0xb7: {  	v7 =	vld [tilespmem:s15+$0x300];
	vm14 =	vmneg vm2;
	[tilespmem:$0x1FE90] =	vst v6;
	v6 =	vnsel vm0, $0xFF800000, v4  }
0xb8: {  	v6 =	vsel vm14, v6, v3  }
0xb9: {  	v3 =	vsel vm14, v3, v4;
	vm15 =	vgt.f32 v5, v6  }
0xba: {  	vm9 =	vgt.f32 v5, v3;
	v4 =	vsel vm15, v5, v6;
	v6 =	vld [tilespmem:s15+$0x400]  }
0xbb: {  	v4 =	vsel vm9, v3, v4  }
0xbc: {  	v3 =	vsel vm9, v5, v3;
	v5 =	vimm.s32 $0x0;
	vm13 =	vgt.f32 v7, v4  }
0xbd: {  	vm6 =	vgt.f32 v7, v3;
	v5 =	vsel vm13, $0xFFFFFFFF, v5;
	v4 =	vsel vm13, v7, v4  }
0xbe: {  	[tilespmem:$0x1FEB0] =	vst v5;
	v5 =	vld [tilespmem:s15+$0x500];
	v4 =	vsel vm6, v3, v4  }
0xbf: {  	v3 =	vsel vm6, v7, v3;
	v7 =	vimm.s32 $0x0;
	vm7 =	vgt.f32 v6, v4  }
0xc0: {  	v7 =	vsel vm7, $0xFFFFFFFF, v7  }
0xc1: {  	vm10 =	vgt.f32 v6, v3;
	v4 =	vsel vm7, v6, v4;
	[tilespmem:$0x1FEC0] =	vst v7;
	v7 =	vld [tilespmem:s15+$0x600]  }
0xc2: {  	v4 =	vsel vm10, v3, v4  }
0xc3: {  	v3 =	vsel vm10, v6, v3;
	v6 =	vimm.s32 $0x0;
	vm12 =	vgt.f32 v5, v4  }
0xc4: {  	vm8 =	vgt.f32 v5, v3;
	v6 =	vsel vm12, $0xFFFFFFFF, v6;
	v4 =	vsel vm12, v5, v4  }
0xc5: {  	[tilespmem:$0x1FED0] =	vst v6;
	v6 =	vld [tilespmem:s15+$0x700];
	v4 =	vsel vm8, v3, v4  }
0xc6: {  	v3 =	vsel vm8, v5, v3;
	v5 =	vimm.s32 $0x0;
	vm13 =	vgt.f32 v7, v4  }
0xc7: {  	v5 =	vsel vm13, $0xFFFFFFFF, v5  }
0xc8: {  	vm7 =	vgt.f32 v7, v3;
	v4 =	vsel vm13, v7, v4;
	[tilespmem:$0x1FEE0] =	vst v5;
	v5 =	vld [tilespmem:s15+$0x800]  }
0xc9: {  	v4 =	vsel vm7, v3, v4  }
0xca: {  	v3 =	vsel vm7, v7, v3;
	v7 =	vimm.s32 $0x0;
	vm5 =	vgt.f32 v6, v4  }
0xcb: {  	vm12 =	vgt.f32 v6, v3;
	v7 =	vsel vm5, $0xFFFFFFFF, v7;
	v4 =	vsel vm5, v6, v4  }
0xcc: {  	[tilespmem:$0x1FEF0] =	vst v7;
	v7 =	vld [tilespmem:s15+$0x900];
	v4 =	vsel vm12, v3, v4  }
0xcd: {  	v3 =	vsel vm12, v6, v3;
	v6 =	vimm.s32 $0x0;
	vm11 =	vgt.f32 v5, v4  }
0xce: {  	v6 =	vsel vm11, $0xFFFFFFFF, v6  }
0xcf: {  	vm5 =	vgt.f32 v5, v3;
	v4 =	vsel vm11, v5, v4;
	[tilespmem:$0x1FF00] =	vst v6;
	v6 =	vld [tilespmem:s15+$0xA00]  }
0xd0: {  	v4 =	vsel vm5, v3, v4  }
0xd1: {  	v3 =	vsel vm5, v5, v3;
	v5 =	vimm.s32 $0x0;
	vm13 =	vgt.f32 v7, v4  }
0xd2: {  	vm3 =	vgt.f32 v7, v3;
	v5 =	vsel vm13, $0xFFFFFFFF, v5;
	v4 =	vsel vm13, v7, v4  }
0xd3: {  	[tilespmem:$0x1FF10] =	vst v5;
	v5 =	vld [tilespmem:s15+$0xB00];
	v4 =	vsel vm3, v3, v4  }
0xd4: {  	v3 =	vsel vm3, v7, v3;
	v7 =	vimm.s32 $0x0;
	vm4 =	vgt.f32 v6, v4  }
0xd5: {  	v7 =	vsel vm4, $0xFFFFFFFF, v7  }
0xd6: {  	vm2 =	vgt.f32 v6, v3;
	v4 =	vsel vm4, v6, v4;
	[tilespmem:$0x1FF20] =	vst v7;
	v7 =	vld [tilespmem:s15+$0xC00]  }
0xd7: {  	v4 =	vsel vm2, v3, v4  }
0xd8: {  	v3 =	vsel vm2, v6, v3;
	vm13 =	vgt.f32 v5, v4  }
0xd9: {  	v6 =	vld [tilespmem:s15+$0xD00];
	vm4 =	vgt.f32 v5, v3;
	v4 =	vsel vm13, v5, v4  }
0xda: {  	v4 =	vsel vm4, v3, v4  }
0xdb: {  	v3 =	vsel vm4, v5, v3;
	v5 =	vimm.s32 $0x0;
	vm11 =	vgt.f32 v7, v4  }
0xdc: {  	v5 =	vsel vm11, $0xFFFFFFFF, v5;
	v4 =	vsel vm11, v7, v4;
	vm11 =	vgt.f32 v7, v3  }
0xdd: {  	v4 =	vsel vm11, v3, v4  }
0xde: {  	v3 =	vsel vm11, v7, v3;
	v7 =	vimm.s32 $0x0;
	vm1 =	vgt.f32 v6, v4  }
0xdf: {  	v7 =	vsel vm1, $0xFFFFFFFF, v7  }
0xe0: {  	[tilespmem:$0x1FF40] =	vst v7;
	v7 =	vld [tilespmem:$0x1FE90];
	_ =	sdelay $0x1  }
0xe1: {  	v9 =	vld [tilespmem:$0x1FEA0];
	_ =	sdelay $0x1  }
0xe2: {  	[tilespmem:$0x1FF30] =	vst v5;
	v5 =	vld [tilespmem:s15+$0xE00]  }
0xe3: {  	v62 =	vld [tilespmem:$0x1FEB0];
	vm0 =	vnez.u8 v7  }
0xe4: {  	v4 =	vsel vm1, v6, v4;
	vm0 =	vmand vm0, vm14  }
0xe5: {  	vm14 =	vgt.f32 v6, v3;
	v8 =	vsel vm0, $0x1, v1;
	vm0 =	vnez.u8 v9  }
0xe6: {  	v4 =	vsel vm14, v3, v4;
	v3 =	vsel vm14, v6, v3;
	v9 =	vsel vm0, $0x1, v1  }
0xe7: {  	v8 =	vsel vm15, $0x2, v8;
	vm1 =	vgt.f32 v5, v4;
	vm0 =	vgt.f32 v5, v3  }
0xe8: {  	vm15 =	vnez.u8 v62;
	v6 =	vsel vm9, v9, v8;
	v4 =	vsel vm1, v5, v4  }
0xe9: {  	v7 =	vld [tilespmem:s15+$0xF00];
	v8 =	vsel vm9, $0x2, v9;
	v6 =	vsel vm15, $0x3, v6;
	v4 =	vsel vm0, v3, v4  }
0xea: {  	v3 =	vsel vm0, v5, v3;
	v5 =	vsel vm6, $0x3, v8;
	v6 =	vsel vm6, v8, v6;
	v8 =	vld [tilespmem:$0x1FEC0];
	_ =	sdelay $0x4  }
0xeb: {  	vm9 =	vgt.f32 v7, v4;
	vm15 =	vnez.u8 v8  }
0xec: {  	vm6 =	vgt.f32 v7, v3;
	v4 =	vsel vm9, v7, v4;
	v6 =	vsel vm15, $0x4, v6  }
0xed: {  	v7 =	vsel vm6, v7, v3;
	v3 =	vsel vm6, v3, v4;
	v4 =	vsel vm10, v5, v6;
	v6 =	vld [tilespmem:$0x1FED0];
	_ =	sdelay $0x4  }
0xee: {  	vm15 =	vnez.u8 v6;
	v6 =	vld [tilespmem:$0x1FEE0];
	_ =	sdelay $0x2  }
0xef: {  	v3 =	vsub.f32 v3, v7  }
0xf0: {  	v5 =	vsel vm10, $0x4, v5;
	v4 =	vsel vm15, $0x5, v4  }
0xf1: {  	v3 =	vmul.f32 $1.442695020e+00, v3;
	v4 =	vsel vm8, v5, v4;
	vm15 =	vnez.u8 v6  }
0xf2: {  	v5 =	vsel vm8, $0x5, v5;
	v4 =	vsel vm15, $0x6, v4  }
0xf3: {  	(erf) = vpow2.f32 v3;
	v3 =	vsel vm7, v5, v4;
	v4 =	vsel vm7, $0x6, v5;
	v5 =	vld [tilespmem:$0x1FEF0];
	_ =	sdelay $0x4  }
0xf4: {  	vm10 =	vnez.u8 v5;
	v5 =	vld [tilespmem:$0x1FF00];
	_ =	sdelay $0x4  }
0xf5: {  	vm15 =	vnez.u8 v5;
	v5 =	vld [tilespmem:$0x1FF10];
	_ =	sdelay $0x4  }
0xf6: {  	v3 =	vsel vm10, $0x7, v3;
	vm10 =	vnez.u8 v5;
	v5 =	vld [tilespmem:$0x1FF20];
	_ =	sdelay $0x2  }
0xf7: {  	v3 =	vsel vm12, v4, v3  }
0xf8: {  	v4 =	vsel vm12, $0x7, v4;
	v3 =	vsel vm15, $0x8, v3  }
0xf9: {  	v3 =	vsel vm5, v4, v3;
	vm12 =	vnez.u8 v5;
	v5 =	vpop (erf)  }
0xfa: {  	v7 =	vld [tilespmem:$0x1FF30];
	v4 =	vsel vm5, $0x8, v4;
	v3 =	vsel vm10, $0x9, v3;
	v6 =	vadd.f32 $1.000000000e+00, v5  }
0xfb: {  	s31 =	simm.s32 $0x18F0;
	v3 =	vsel vm3, v4, v3  }
0xfc: {  	[tilespmem:s31+$0xFFFFFF10] =	vst v2;
	v4 =	vsel vm3, $0x9, v4;
	v3 =	vsel vm12, $0xA, v3;
	(erf) = vrcp.f32 v6;
	v6 =	vld [tilespmem:$0x1FF40]  }
0xfd: {  	[tilespmem:s31+$0xFFFFFF50] =	vst v2;
	v3 =	vsel vm2, v4, v3  }
0xfe: {  	[tilespmem:s31+$0xFFFFFF60] =	vst v2;
	v4 =	vsel vm2, $0xA, v4;
	v3 =	vsel vm13, $0xB, v3  }
0xff: {  	[tilespmem:s31+$0xFFFFFF70] =	vst v2;
	vm13 =	vnez.u8 v7;
	v3 =	vsel vm4, v4, v3  }
0x100: {  	[tilespmem:s31+$0xFFFFFF40] =	vst v2;
	v4 =	vsel vm4, $0xB, v4;
	v3 =	vsel vm13, $0xC, v3  }
0x101: {  	[tilespmem:s31+$0xFFFFFF30] =	vst v2;
	v3 =	vsel vm11, v4, v3;
	vm15 =	vnez.u8 v6  }
0x102: {  	[tilespmem:s31+$0xFFFFFF80] =	vst v2;
	v4 =	vsel vm11, $0xC, v4;
	v3 =	vsel vm15, $0xD, v3  }
0x103: {  	[tilespmem:s31+$0xFFFFFF90] =	vst v2;
	v3 =	vsel vm14, v4, v3  }
0x104: {  	[tilespmem:s31+$0xFFFFFFA0] =	vst v2;
	v4 =	vsel vm14, $0xD, v4;
	v3 =	vsel vm1, $0xE, v3  }
0x105: {  	[tilespmem:s31+$0xFFFFFFB0] =	vst v2;
	v7 =	vor.u32 s30, v0;
	v6 =	vsel vm0, $0xE, v4;
	v3 =	vsel vm0, v4, v3  }
0x106: {  	[tilespmem:s31+$0xFFFFFFC0] =	vst v2;
	v8 =	vshll.u32 v7, $0x4;
	v4 =	vsel vm6, $0xF, v6;
	v3 =	vsel vm9, $0xF, v3  }
0x107: {  	[tilespmem:s31+$0xFFFFFFD0] =	vst v2;
	v63 =	vadd.s32 v8, v4;
	v3 =	vsel vm6, v6, v3  }
0x108: {  	[tilespmem:s31+$0xFFFFFFF0] =	vst v2;
	v8 =	vadd.s32 v8, v3  }
0x109: {  	[tilespmem:s31+$0x0] =	vst v2  }
0x10a: {  	[tilespmem:s31+$0xFFFFFF20] =	vst v2;
	v10 =	vpop (erf);
	v6 =	vshll.u32 v7, $0x1  }
0x10b: {  	[tilespmem:s31+$0xFFFFFFE0] =	vst v2;
	v11 =	vmul.f32 v10, v5;
	v5 =	vor.u32 $0x1, v6  }
0x10c: {  	s17 =	simm.s32 $0x40;
	s20 =	simm.s32 $0x80;
	s15 =	simm.s32 $0x90;
	[tilespmem:v63+s9+$0x0] =	vst.idx.msk $0xffff, v10  }
0x10d: {  	s18 =	simm.s32 $0xA0;
	s14 =	simm.s32 $0x19F0;
	s16 =	sand.u32 $0x3FFFFF80, s15;
	[tilespmem:v8+s9+$0x0] =	vst.idx.msk $0xffff, v11  }
.LBB2_4:
0x10e: {  	s21 =	sand.u32 $0x3FFFFF80, s18  }
0x10f: {  	s22 =	sshra.s32 s17, $0x2;
	[tilespmem:v6+s10+$0x0] =	vst.idx.msk $0xffff, v4;
	s17 =	smov.u32 s20;
	s19 =	sadd.s32 $0x40, s20  }
0x110: {  	p0 =	sne.s32 s20, $0x1C0;
	s20 =	sadd.s32 s22, s16;
	[tilespmem:v5+s10+$0x0] =	vst.idx.msk $0xffff, v3;
	s16 =	smov.u32 s21  }
0x111: {  	v3 =	vld [tilespmem:s22+$0x80]  }
0x112: {  	v4 =	vld [tilespmem:s20+$0x100];
	_ =	sdelay $0x3  }
0x113: {  	vm0 =	vgt.f32 v3, $-Inf;
	v5 =	vld [tilespmem:s20+$0x200]  }
0x114: {  	v3 =	vnsel vm0, $0xFF800000, v3;
	vm0 =	vlt.f32 v4, $-Inf;
	vm1 =	vgt.f32 v4, $-Inf  }
0x115: {  	vm2 =	vgt.f32 v4, v3;
	vm0 =	vmor vm1, vm0  }
0x116: {  	vm1 =	vmneg vm2;
	v6 =	vnsel vm0, $0xFF800000, v4;
	v7 =	vld [tilespmem:s20+$0x300]  }
0x117: {  	v6 =	vsel vm1, v6, v3;
	vm0 =	vmand vm0, vm1;
	v3 =	vsel vm1, v3, v4  }
0x118: {  	v8 =	vsel vm2, $0x1, v1;
	v4 =	vsel vm0, $0x1, v1;
	vm0 =	vgt.f32 v5, v6  }
0x119: {  	vm1 =	vgt.f32 v5, v3;
	v6 =	vsel vm0, v5, v6;
	v4 =	vsel vm0, $0x2, v4;
	v9 =	vld [tilespmem:s20+$0x400]  }
0x11a: {  	v6 =	vsel vm1, v3, v6;
	v3 =	vsel vm1, v5, v3;
	v5 =	vsel vm1, $0x2, v8  }
0x11b: {  	v4 =	vsel vm1, v8, v4;
	vm0 =	vgt.f32 v7, v6  }
0x11c: {  	vm1 =	vgt.f32 v7, v3;
	v6 =	vsel vm0, v7, v6;
	v4 =	vsel vm0, $0x3, v4;
	v8 =	vld [tilespmem:s20+$0x500]  }
0x11d: {  	v6 =	vsel vm1, v3, v6;
	v4 =	vsel vm1, v5, v4;
	v5 =	vsel vm1, $0x3, v5  }
0x11e: {  	v3 =	vsel vm1, v7, v3;
	vm0 =	vgt.f32 v9, v6  }
0x11f: {  	vm1 =	vgt.f32 v9, v3;
	v6 =	vsel vm0, v9, v6;
	v4 =	vsel vm0, $0x4, v4;
	v7 =	vld [tilespmem:s20+$0x600]  }
0x120: {  	v6 =	vsel vm1, v3, v6;
	v4 =	vsel vm1, v5, v4;
	v3 =	vsel vm1, v9, v3  }
0x121: {  	v5 =	vsel vm1, $0x4, v5;
	vm0 =	vgt.f32 v8, v6  }
0x122: {  	vm1 =	vgt.f32 v8, v3;
	v6 =	vsel vm0, v8, v6;
	v4 =	vsel vm0, $0x5, v4;
	v9 =	vld [tilespmem:s20+$0x700]  }
0x123: {  	v6 =	vsel vm1, v3, v6;
	v4 =	vsel vm1, v5, v4;
	v3 =	vsel vm1, v8, v3  }
0x124: {  	v5 =	vsel vm1, $0x5, v5;
	vm0 =	vgt.f32 v7, v6  }
0x125: {  	vm1 =	vgt.f32 v7, v3;
	v6 =	vsel vm0, v7, v6;
	v4 =	vsel vm0, $0x6, v4;
	v8 =	vld [tilespmem:s20+$0x800]  }
0x126: {  	v6 =	vsel vm1, v3, v6;
	v4 =	vsel vm1, v5, v4;
	v3 =	vsel vm1, v7, v3  }
0x127: {  	v5 =	vsel vm1, $0x6, v5;
	vm0 =	vgt.f32 v9, v6  }
0x128: {  	vm1 =	vgt.f32 v9, v3;
	v6 =	vsel vm0, v9, v6;
	v4 =	vsel vm0, $0x7, v4;
	v7 =	vld [tilespmem:s20+$0x900]  }
0x129: {  	v6 =	vsel vm1, v3, v6;
	v4 =	vsel vm1, v5, v4  }
0x12a: {  	v3 =	vsel vm1, v9, v3;
	v5 =	vsel vm1, $0x7, v5;
	vm0 =	vgt.f32 v8, v6  }
0x12b: {  	vm1 =	vgt.f32 v8, v3;
	v6 =	vsel vm0, v8, v6;
	v4 =	vsel vm0, $0x8, v4;
	v9 =	vld [tilespmem:s20+$0xA00]  }
0x12c: {  	v6 =	vsel vm1, v3, v6;
	v3 =	vsel vm1, v8, v3;
	v8 =	vsel vm1, $0x8, v5  }
0x12d: {  	v4 =	vsel vm1, v5, v4;
	vm0 =	vgt.f32 v7, v6  }
0x12e: {  	vm1 =	vgt.f32 v7, v3;
	v5 =	vsel vm0, v7, v6;
	v4 =	vsel vm0, $0x9, v4;
	v6 =	vld [tilespmem:s20+$0xB00]  }
0x12f: {  	v5 =	vsel vm1, v3, v5;
	v4 =	vsel vm1, v8, v4;
	v8 =	vsel vm1, $0x9, v8  }
0x130: {  	v3 =	vsel vm1, v7, v3;
	vm0 =	vgt.f32 v9, v5  }
0x131: {  	vm1 =	vgt.f32 v9, v3;
	v5 =	vsel vm0, v9, v5;
	v4 =	vsel vm0, $0xA, v4;
	v7 =	vld [tilespmem:s20+$0xC00]  }
0x132: {  	v5 =	vsel vm1, v3, v5;
	v4 =	vsel vm1, v8, v4;
	v8 =	vsel vm1, $0xA, v8  }
0x133: {  	v3 =	vsel vm1, v9, v3;
	vm0 =	vgt.f32 v6, v5;
	v9 =	vld [tilespmem:s20+$0xD00]  }
0x134: {  	vm1 =	vgt.f32 v6, v3;
	v5 =	vsel vm0, v6, v5;
	v4 =	vsel vm0, $0xB, v4  }
0x135: {  	v5 =	vsel vm1, v3, v5;
	v4 =	vsel vm1, v8, v4;
	v3 =	vsel vm1, v6, v3;
	v6 =	vld [tilespmem:s20+$0xF00]  }
0x136: {  	v8 =	vsel vm1, $0xB, v8;
	vm0 =	vgt.f32 v7, v5;
	v10 =	vld [tilespmem:s20+$0xE00]  }
0x137: {  	vm1 =	vgt.f32 v7, v3;
	v5 =	vsel vm0, v7, v5;
	v4 =	vsel vm0, $0xC, v4;
	[tilespmem:s14+$0xFFFFFF10] =	vst v2  }
0x138: {  	v5 =	vsel vm1, v3, v5;
	v4 =	vsel vm1, v8, v4;
	v3 =	vsel vm1, v7, v3;
	[tilespmem:s14+$0xFFFFFF50] =	vst v2  }
0x139: {  	v7 =	vsel vm1, $0xC, v8;
	vm0 =	vgt.f32 v9, v3;
	vm1 =	vgt.f32 v9, v5;
	[tilespmem:s14+$0xFFFFFF60] =	vst v2  }
0x13a: {  	v5 =	vsel vm1, v9, v5;
	v4 =	vsel vm1, $0xD, v4;
	v8 =	vsel vm0, $0xD, v7;
	[tilespmem:s14+$0xFFFFFF70] =	vst v2  }
0x13b: {  	v5 =	vsel vm0, v3, v5;
	v4 =	vsel vm0, v7, v4;
	v3 =	vsel vm0, v9, v3;
	[tilespmem:s14+$0xFFFFFF40] =	vst v2  }
0x13c: {  	vm0 =	vgt.f32 v10, v3;
	vm1 =	vgt.f32 v10, v5;
	[tilespmem:s14+$0xFFFFFF30] =	vst v2  }
0x13d: {  	v5 =	vsel vm1, v10, v5;
	v4 =	vsel vm1, $0xE, v4;
	v7 =	vsel vm0, v10, v3;
	[tilespmem:s14+$0xFFFFFF80] =	vst v2  }
0x13e: {  	v3 =	vsel vm0, v3, v5;
	v4 =	vsel vm0, v8, v4;
	[tilespmem:s14+$0xFFFFFF90] =	vst v2  }
0x13f: {  	v5 =	vsel vm0, $0xE, v8;
	vm0 =	vgt.f32 v6, v7;
	vm1 =	vgt.f32 v6, v3;
	[tilespmem:s14+$0xFFFFFFA0] =	vst v2  }
0x140: {  	v3 =	vsel vm1, v6, v3;
	v4 =	vsel vm1, $0xF, v4;
	v6 =	vsel vm0, v6, v7;
	[tilespmem:s14+$0xFFFFFFB0] =	vst v2  }
0x141: {  	v7 =	vsel vm0, v7, v3;
	v3 =	vsel vm0, v5, v4;
	[tilespmem:s14+$0xFFFFFFC0] =	vst v2  }
0x142: {  	v4 =	vsub.f32 v7, v6;
	[tilespmem:s14+$0xFFFFFFD0] =	vst v2  }
0x143: {  	[tilespmem:s14+$0xFFFFFFF0] =	vst v2  }
0x144: {  	v4 =	vmul.f32 $1.442695020e+00, v4;
	[tilespmem:s14+$0x0] =	vst v2  }
0x145: {  	[tilespmem:s14+$0xFFFFFF20] =	vst v2  }
0x146: {  	[tilespmem:s14+$0xFFFFFFE0] =	vst v2;
	(erf) = vpow2.f32 v4;
	_ =	sdelay $0x8  }
0x147: {  	v7 =	vpop (erf)  }
0x148: {  	v4 =	vadd.f32 $1.000000000e+00, v7;
	_ =	sdelay $0x1  }
0x149: {  	(erf) = vrcp.f32 v4;
	_ =	sdelay $0x2  }
0x14a: {  	v6 =	vor.u32 s15, v0;
	s15 =	smov.u32 s18  }
0x14b: {  	v4 =	vsel vm0, $0xF, v5;
	v5 =	vshll.u32 v6, $0x4  }
0x14c: {  	v8 =	vadd.s32 v5, v4  }
0x14d: {  	v9 =	vadd.s32 v5, v3  }
0x14e: {  	v6 =	vshll.u32 v6, $0x1  }
.Ltmp1:
0x14f: {  	v5 =	vor.u32 $0x1, v6;
	(pc) =	sbr.rel @p0 .LBB2_4-.Ltmp1, $4  }
0x150: {  	v10 =	vpop (erf)  }
0x151: {  	v7 =	vmul.f32 v10, v7  }
0x152: {  	[tilespmem:v8+s9+$0x0] =	vst.idx.msk $0xffff, v10  }
0x153: {  	s20 =	smov.u32 s19;
	s18 =	sadd.s32 $0x10, s18;
	s14 =	sadd.s32 $0x100, s14;
	[tilespmem:v9+s9+$0x0] =	vst.idx.msk $0xffff, v7  }
0x154: {  	_ =	sdelay $0x3  }
0x155: {  	[tilespmem:v6+s10+$0x0] =	vst.idx.msk $0xffff, v4  }
0x156: {  	s17 =	sshra.s32 s17, $0x2;
	[tilespmem:v5+s10+$0x0] =	vst.idx.msk $0xffff, v3  }
0x157: {  	v3 =	vld [tilespmem:s17+$0x80]  }
0x158: {  	s16 =	sadd.s32 s17, s16  }
0x159: {  	v4 =	vld [tilespmem:s16+$0x100];
	_ =	sdelay $0x2  }
0x15a: {  	vm0 =	vgt.f32 v3, $-Inf  }
0x15b: {  	v15 =	vimm.s32 $0x0;
	v5 =	vld [tilespmem:s16+$0x200];
	v3 =	vnsel vm0, $0xFF800000, v3  }
0x15c: {  	vm12 =	vlt.f32 v4, $-Inf;
	vm1 =	vgt.f32 v4, $-Inf;
	vm2 =	vgt.f32 v4, v3  }
0x15d: {  	v16 =	vimm.s32 $0x0;
	vm0 =	vmor vm1, vm12;
	v6 =	vsel vm2, $0xFFFFFFFF, v15  }
0x15e: {  	v7 =	vld [tilespmem:s16+$0x300];
	v17 =	vnsel vm0, $0xFF800000, v4;
	vm14 =	vmneg vm2;
	[tilespmem:$0x1FDE0] =	vst v6;
	v6 =	vsel vm0, $0xFFFFFFFF, v16  }
0x15f: {  	[tilespmem:$0x1FDD0] =	vst v6;
	v6 =	vsel vm14, v17, v3  }
0x160: {  	v3 =	vsel vm14, v3, v4;
	vm15 =	vgt.f32 v5, v6  }
0x161: {  	v19 =	vld [tilespmem:s16+$0x400];
	vm9 =	vgt.f32 v5, v3;
	v18 =	vsel vm15, v5, v6  }
0x162: {  	v4 =	vsel vm9, v3, v18  }
0x163: {  	v3 =	vsel vm9, v5, v3;
	vm13 =	vgt.f32 v7, v4  }
0x164: {  	v21 =	vld [tilespmem:s16+$0x500];
	vm6 =	vgt.f32 v7, v3;
	v4 =	vsel vm13, v7, v4  }
0x165: {  	v4 =	vsel vm6, v3, v4  }
0x166: {  	v3 =	vsel vm6, v7, v3;
	vm7 =	vgt.f32 v19, v4  }
0x167: {  	v23 =	vld [tilespmem:s16+$0x600];
	vm10 =	vgt.f32 v19, v3;
	v4 =	vsel vm7, v19, v4  }
0x168: {  	v4 =	vsel vm10, v3, v4  }
0x169: {  	v3 =	vsel vm10, v19, v3;
	vm12 =	vgt.f32 v21, v4  }
0x16a: {  	v25 =	vld [tilespmem:s16+$0x700];
	vm8 =	vgt.f32 v21, v3;
	v4 =	vsel vm12, v21, v4  }
0x16b: {  	v20 =	vimm.s32 $0x0;
	v22 =	vimm.s32 $0x0;
	v4 =	vsel vm8, v3, v4  }
0x16c: {  	v5 =	vsel vm13, $0xFFFFFFFF, v20;
	v3 =	vsel vm8, v21, v3;
	vm13 =	vgt.f32 v23, v4  }
0x16d: {  	v27 =	vld [tilespmem:s16+$0x800];
	v7 =	vsel vm7, $0xFFFFFFFF, v22;
	vm7 =	vgt.f32 v23, v3;
	v4 =	vsel vm13, v23, v4  }
0x16e: {  	v4 =	vsel vm7, v3, v4  }
0x16f: {  	v24 =	vimm.s32 $0x0;
	v3 =	vsel vm7, v23, v3;
	vm5 =	vgt.f32 v25, v4  }
0x170: {  	v29 =	vld [tilespmem:s16+$0x900];
	v6 =	vsel vm12, $0xFFFFFFFF, v24;
	vm12 =	vgt.f32 v25, v3;
	v4 =	vsel vm5, v25, v4  }
0x171: {  	v4 =	vsel vm12, v3, v4  }
0x172: {  	v28 =	vimm.s32 $0x0;
	v3 =	vsel vm12, v25, v3;
	vm11 =	vgt.f32 v27, v4  }
0x173: {  	v31 =	vld [tilespmem:s16+$0xA00];
	[tilespmem:$0x1FE00] =	vst v7;
	v7 =	vsel vm5, $0xFFFFFFFF, v28;
	vm5 =	vgt.f32 v27, v3;
	v4 =	vsel vm11, v27, v4  }
0x174: {  	v26 =	vimm.s32 $0x0;
	v4 =	vsel vm5, v3, v4  }
0x175: {  	v40 =	vld [tilespmem:$0x1FDD0];
	[tilespmem:$0x1FDF0] =	vst v5;
	v5 =	vsel vm13, $0xFFFFFFFF, v26;
	v3 =	vsel vm5, v27, v3;
	vm13 =	vgt.f32 v29, v4  }
0x176: {  	v33 =	vld [tilespmem:s16+$0xB00];
	vm3 =	vgt.f32 v29, v3;
	v4 =	vsel vm13, v29, v4  }
0x177: {  	v30 =	vimm.s32 $0x0;
	v4 =	vsel vm3, v3, v4  }
0x178: {  	v32 =	vimm.s32 $0x0;
	v3 =	vsel vm3, v29, v3;
	vm4 =	vgt.f32 v31, v4  }
0x179: {  	v34 =	vimm.s32 $0x0;
	v35 =	vld [tilespmem:s16+$0xC00];
	vm2 =	vgt.f32 v31, v3;
	v4 =	vsel vm4, v31, v4  }
0x17a: {  	v37 =	vimm.s32 $0x0;
	vm0 =	vnez.u8 v40;
	v4 =	vsel vm2, v3, v4  }
0x17b: {  	v9 =	vld [tilespmem:$0x1FDE0];
	[tilespmem:$0x1FE20] =	vst v5;
	v5 =	vsel vm13, $0xFFFFFFFF, v32;
	v3 =	vsel vm2, v31, v3;
	vm13 =	vgt.f32 v33, v4  }
0x17c: {  	v36 =	vld [tilespmem:s16+$0xD00];
	[tilespmem:$0x1FE30] =	vst v7;
	v7 =	vsel vm4, $0xFFFFFFFF, v34;
	vm4 =	vgt.f32 v33, v3;
	v4 =	vsel vm13, v33, v4  }
0x17d: {  	v39 =	vimm.s32 $0x0;
	vm0 =	vmand vm0, vm14;
	v4 =	vsel vm4, v3, v4  }
0x17e: {  	[tilespmem:$0x1FE10] =	vst v6;
	v6 =	vsel vm11, $0xFFFFFFFF, v30;
	v3 =	vsel vm4, v33, v3;
	vm11 =	vgt.f32 v35, v4  }
0x17f: {  	v38 =	vld [tilespmem:s16+$0xE00];
	[tilespmem:$0x1FE50] =	vst v5;
	v5 =	vsel vm11, $0xFFFFFFFF, v37;
	v4 =	vsel vm11, v35, v4;
	vm11 =	vgt.f32 v35, v3  }
0x180: {  	v44 =	vld [tilespmem:$0x1FDF0];
	v8 =	vsel vm0, $0x1, v1;
	vm0 =	vnez.u8 v9;
	v4 =	vsel vm11, v3, v4  }
0x181: {  	v41 =	vld [tilespmem:s16+$0xF00];
	v9 =	vsel vm0, $0x1, v1;
	v3 =	vsel vm11, v35, v3;
	vm1 =	vgt.f32 v36, v4  }
0x182: {  	v8 =	vsel vm15, $0x2, v8;
	v46 =	vld [tilespmem:$0x1FE00];
	vm14 =	vgt.f32 v36, v3;
	v4 =	vsel vm1, v36, v4  }
0x183: {  	v42 =	vsel vm9, v9, v8;
	v43 =	vsel vm9, $0x2, v9;
	v4 =	vsel vm14, v3, v4  }
0x184: {  	[tilespmem:$0x1FE60] =	vst v7;
	v7 =	vsel vm1, $0xFFFFFFFF, v39;
	v3 =	vsel vm14, v36, v3;
	vm1 =	vgt.f32 v38, v4  }
0x185: {  	vm15 =	vnez.u8 v44;
	v48 =	vld [tilespmem:$0x1FE10];
	vm0 =	vgt.f32 v38, v3;
	v4 =	vsel vm1, v38, v4  }
0x186: {  	v45 =	vsel vm6, $0x3, v43;
	[tilespmem:$0x1FE40] =	vst v6;
	v6 =	vsel vm15, $0x3, v42;
	v4 =	vsel vm0, v3, v4  }
0x187: {  	v49 =	vld [tilespmem:$0x1FE20];
	vm15 =	vnez.u8 v46;
	v3 =	vsel vm0, v38, v3;
	vm9 =	vgt.f32 v41, v4  }
0x188: {  	v6 =	vsel vm6, v43, v6;
	vm6 =	vgt.f32 v41, v3;
	v4 =	vsel vm9, v41, v4  }
0x189: {  	v51 =	vld [tilespmem:$0x1FE30];
	v6 =	vsel vm15, $0x4, v6;
	[tilespmem:$0x1FE80] =	vst v7;
	v7 =	vsel vm6, v41, v3;
	v3 =	vsel vm6, v3, v4  }
0x18a: {  	vm15 =	vnez.u8 v48;
	v47 =	vsel vm10, v45, v6;
	v3 =	vsub.f32 v3, v7  }
0x18b: {  	v52 =	vld [tilespmem:$0x1FE40];
	[tilespmem:$0x1FE70] =	vst v5;
	v5 =	vsel vm10, $0x4, v45;
	v4 =	vsel vm15, $0x5, v47  }
0x18c: {  	vm15 =	vnez.u8 v49;
	v4 =	vsel vm8, v5, v4;
	v3 =	vmul.f32 $1.442695020e+00, v3  }
0x18d: {  	v53 =	vld [tilespmem:$0x1FE50];
	v5 =	vsel vm8, $0x5, v5;
	v4 =	vsel vm15, $0x6, v4  }
0x18e: {  	vm10 =	vnez.u8 v51;
	(erf) = vpow2.f32 v3;
	v3 =	vsel vm7, v5, v4  }
0x18f: {  	v54 =	vld [tilespmem:$0x1FE60];
	v50 =	vsel vm7, $0x6, v5;
	v3 =	vsel vm10, $0x7, v3  }
0x190: {  	vm15 =	vnez.u8 v52;
	v3 =	vsel vm12, v50, v3  }
0x191: {  	v4 =	vsel vm12, $0x7, v50;
	v3 =	vsel vm15, $0x8, v3  }
0x192: {  	vm10 =	vnez.u8 v53;
	v3 =	vsel vm5, v4, v3  }
0x193: {  	v57 =	vld [tilespmem:$0x1FE70];
	v4 =	vsel vm5, $0x8, v4;
	v3 =	vsel vm10, $0x9, v3  }
0x194: {  	vm12 =	vnez.u8 v54;
	v3 =	vsel vm3, v4, v3  }
0x195: {  	[tilespmem:s14+$0xFFFFFF10] =	vst v2;
	v58 =	vld [tilespmem:$0x1FE80];
	v4 =	vsel vm3, $0x9, v4;
	v3 =	vsel vm12, $0xA, v3  }
0x196: {  	[tilespmem:s14+$0xFFFFFF50] =	vst v2;
	v3 =	vsel vm2, v4, v3  }
0x197: {  	[tilespmem:s14+$0xFFFFFF60] =	vst v2;
	v4 =	vsel vm2, $0xA, v4;
	v3 =	vsel vm13, $0xB, v3;
	v55 =	vpop (erf)  }
0x198: {  	[tilespmem:s14+$0xFFFFFF70] =	vst v2;
	vm13 =	vnez.u8 v57;
	v3 =	vsel vm4, v4, v3;
	v56 =	vadd.f32 $1.000000000e+00, v55  }
0x199: {  	[tilespmem:s14+$0xFFFFFF40] =	vst v2;
	v4 =	vsel vm4, $0xB, v4;
	v3 =	vsel vm13, $0xC, v3  }
0x19a: {  	[tilespmem:s14+$0xFFFFFF30] =	vst v2;
	vm15 =	vnez.u8 v58;
	(erf) = vrcp.f32 v56;
	v3 =	vsel vm11, v4, v3  }
0x19b: {  	[tilespmem:s14+$0xFFFFFF80] =	vst v2;
	v4 =	vsel vm11, $0xC, v4;
	v3 =	vsel vm15, $0xD, v3  }
0x19c: {  	[tilespmem:s14+$0xFFFFFF90] =	vst v2;
	v3 =	vsel vm14, v4, v3  }
0x19d: {  	[tilespmem:s14+$0xFFFFFFA0] =	vst v2;
	v4 =	vsel vm14, $0xD, v4;
	v3 =	vsel vm1, $0xE, v3  }
0x19e: {  	v59 =	vor.u32 s15, v0;
	[tilespmem:s14+$0xFFFFFFB0] =	vst v2;
	v3 =	vsel vm0, v4, v3;
	v4 =	vsel vm0, $0xE, v4  }
0x19f: {  	v61 =	vshll.u32 v59, $0x4;
	[tilespmem:s14+$0xFFFFFFC0] =	vst v2;
	v3 =	vsel vm9, $0xF, v3;
	v60 =	vsel vm6, $0xF, v4  }
0x1a0: {  	[tilespmem:s14+$0xFFFFFFD0] =	vst v2;
	v3 =	vsel vm6, v4, v3;
	v62 =	vadd.s32 v61, v60  }
0x1a1: {  	[tilespmem:s14+$0xFFFFFFF0] =	vst v2;
	v8 =	vadd.s32 v61, v3  }
0x1a2: {  	[tilespmem:s14+$0x0] =	vst v2;
	v6 =	vshll.u32 v59, $0x1  }
0x1a3: {  	[tilespmem:s14+$0xFFFFFF20] =	vst v2;
	v63 =	vor.u32 $0x1, v6;
	v10 =	vpop (erf)  }
0x1a4: {  	[tilespmem:s14+$0xFFFFFFE0] =	vst v2;
	v5 =	vmul.f32 v10, v55  }
0x1a5: {  	[tilespmem:v62+s9+$0x0] =	vst.idx.msk $0xffff, v10  }
0x1a6: {  	[tilespmem:v8+s9+$0x0] =	vst.idx.msk $0xffff, v5  }
0x1a7: {  	[tilespmem:v6+s10+$0x0] =	vst.idx.msk $0xffff, v60  }
0x1a8: {  	[tilespmem:v63+s10+$0x0] =	vst.idx.msk $0xffff, v3  }
0x1a9: {  	[hbm4b:s5+s2] =	stream.linear.scatter [tilespmem:s11], [sflag:$0x1], $0x800, $0x38;
	[tilespmem:$0x2200] =	vst v63  }
0x1aa: {  	_ = 	snop  }
0x1ab: {  	[hbm4b:s6+s2] =	stream.linear.scatter [tilespmem:s10], [sflag:$0x1], $0x200, $0x38;
	[tilespmem:$0x2200] =	vst v63  }
0x1ac: {  	_ =	swait.ge [sflag:s12], $0x800  }
0x1ad: {  	[sflag:s12] =	ssyncset.done $0x0  }
0x1ae: {  	s13 =	sadd.s32 $0x1, s13;
	[sflag:s12] =	ssyncadd.s32 $0xFFFFF800  }
0x1af: {  	p0 =	sne.s32 s13, s7;
	_ =	swait.ge [sflag:s12], $0x800  }
.Ltmp2:
0x1b0: {  	[sflag:s12] =	ssyncset.done $0x0;
	(pc) =	sbr.rel @p0 .LBB2_1-.Ltmp2, $4  }
0x1b1: {  	[sflag:s12] =	ssyncadd.s32 $0xFFFFF800  }
0x1b2: {  	_ =	swait.ge [sflag:s12], $0x200  }
0x1b3: {  	[sflag:s12] =	ssyncset.done $0x0  }
0x1b4: {  	[sflag:s12] =	ssyncadd.s32 $0xFFFFFE00  }
0x1b5: {  	_ =	sfence.sel $0x180000  }
0x1b6: {  	[bflag:$0x0] =	sbarrier.arrive $0xFFFF  }
0x1b7: {  	p0 =	sne.s32 s1, $0x0;
	_ =	strace $0x90000047  }
0x1b8: {  	s0 =	sadd.s32 @!p0 $0x100000, s0;
	[bflag:$0x2] =	sbarrier.arrive $0xFFFF  }
0x1b9: {  	[sflag:s0] =	ssyncadd.tile.s32 @!p0 $0x1;
	_ =	shalt  }
.Lfunc_end2:
_tile_overlayer_lowered:
.L_overlay_start_2:
0x1ba: {  	(tag) =	ssettag $0x2  }
0x1bb: {  	s0 =	rddreg [dreg:$0x0];
	s2 =	stileid.u32  }
0x1bc: {  	s1 =	rddreg [dreg:$0x1];
	p0 =	sne.s32 s2, $0x0  }
0x1bd: {  	s3 =	rddreg [dreg:$0x2];
	[bflag:$0x3] =	sbarrier.arrive $0xFFFF;
	s2 =	simm.s32 @!p0 $0x1C02  }
0x1be: {  	[timem:s3], [sflag:s2] =	dma.local @!p0 [hbm:s0], s1  }
0x1bf: {  	s0 =	simm.s32 @!p0 $0x2  }
0x1c0: {  	_ =	swait.ge @!p0 [sflag:s0], s1  }
0x1c1: {  	s1 =	ssub.s32 @!p0 $0x0, s1;
	[sflag:s0] =	ssyncset.done @!p0 $0x0  }
0x1c2: {  	[sflag:s0] =	ssyncadd.s32 @!p0 s1  }
0x1c3: {  	[bflag:$0x3] =	sbarrier.arrive $0xFFFF  }
0x1c4: {  	_ =	shalt  }

</sc_bundles>
